<compile_context>
chip_gen: v7x
topology: tpu7x:2x2x1
jax: 0.10.2.dev20260603
libtpu: 0.0.44.dev20260713+nightly
codegen_flags: <defaults>
</compile_context>

<pallas_src>
import functools

import jax
import jax.numpy as jnp
from jax import lax
from jax.experimental import pallas as pl
from jax.experimental.pallas import tpu as pltpu
from jax.experimental.pallas import tpu_sc as plsc

B = 8192
D = 256
K = 8192
MU = 0.25


_BM = 1024
_BN = 8192
_SENTINEL = 2 ** 30


_CW = 128
_RG = 64


def _argmin_body(x_ref, emb_ref, idx_ref, loss_ref, b_ref, acc_ref):
    mi = pl.program_id(0)
    m_last = pl.num_programs(0) - 1
    xb = x_ref[...]
    eb = emb_ref[...]

    @pl.when(mi == 0)
    def _():
        ones = jnp.ones((1, D), jnp.float32)
        bv = lax.dot_general(ones, eb * eb, (((1,), (1,)), ((), ())),
                             preferred_element_type=jnp.float32)
        b_ref[...] = bv

    a = jnp.sum(xb * xb, axis=1, keepdims=True)
    mm2 = lax.dot_general(xb + xb, eb, (((1,), (1,)), ((), ())),
                          preferred_element_type=jnp.float32)
    nch = K // _CW
    bslab = b_ref[...]
    av = jnp.broadcast_to(a, (_BM, _CW))
    run_v = None
    run_g = None
    for g in range(nch // 4):
        ds = []
        for i in range(4):
            c = 4 * g + i
            b_c = bslab[:, c * _CW:(c + 1) * _CW]
            ds.append((av + b_c) - mm2[:, c * _CW:(c + 1) * _CW])
        m01 = jnp.minimum(ds[0], ds[1])
        p01 = ds[1] < ds[0]
        m23 = jnp.minimum(ds[2], ds[3])
        p23 = ds[3] < ds[2]
        mg = jnp.minimum(m01, m23)
        q = m23 < m01
        c01 = jnp.where(p01, 4 * g + 1, 4 * g)
        c23 = jnp.where(p23, 4 * g + 3, 4 * g + 2)
        cg = jnp.where(q, c23, c01)
        if g == 0:
            run_v = mg
            run_g = cg
        else:
            lt = mg < run_v
            run_g = jnp.where(lt, cg, run_g)
            run_v = jnp.minimum(run_v, mg)
    m = jnp.min(run_v, axis=1, keepdims=True)
    lanes = lax.broadcasted_iota(jnp.int32, (_BM, _CW), 1)
    j = run_g * _CW + lanes
    wi = jnp.min(jnp.where(run_v == m, j, _SENTINEL), axis=1, keepdims=True)
    idx_ref[...] = wi.reshape(idx_ref.shape)

    part = jnp.sum(m)

    @pl.when(mi == 0)
    def _():
        acc_ref[0] = part

    @pl.when(mi > 0)
    def _():
        acc_ref[0] = acc_ref[0] + part

    @pl.when(mi == m_last)
    def _():
        loss_ref[...] = (acc_ref[0] * ((1.0 + MU) / (B * D))).reshape(1, 1)


def _compute_indices(x, emb):
    nb = x.shape[0]
    grid = (nb // _BM,)
    out = pl.pallas_call(
        _argmin_body,
        grid=grid,
        in_specs=[
            pl.BlockSpec((_BM, D), lambda m: (m, 0)),
            pl.BlockSpec((K, D), lambda m: (0, 0)),
        ],
        out_specs=[
            pl.BlockSpec((_BM // 128, 128), lambda m: (m, 0)),
            pl.BlockSpec((1, 1), lambda m: (0, 0)),
        ],
        out_shape=[
            jax.ShapeDtypeStruct((nb // 128, 128), jnp.int32),
            jax.ShapeDtypeStruct((1, 1), jnp.float32),
        ],
        scratch_shapes=[
            pltpu.VMEM((1, K), jnp.float32),
            pltpu.SMEM((1,), jnp.float32),
        ],
        compiler_params=pltpu.CompilerParams(
            dimension_semantics=("arbitrary",),
        ),
    )(x, emb)
    return out[0].reshape(nb), out[1]



def _gather_sc(emb, idx):
    nb = idx.shape[0]
    info = plsc.get_sparse_core_info()
    _NC, _NS = info.num_cores, info.num_subcores
    _NW = _NC * _NS
    _BPW = nb // _NW
    mesh = plsc.VectorSubcoreMesh(core_axis_name="c", subcore_axis_name="s")

    @functools.partial(
        pl.kernel, mesh=mesh,
        out_type=jax.ShapeDtypeStruct((nb, D), jnp.float32),
        scratch_types=[
            pltpu.VMEM((_BPW,), jnp.int32),
            pltpu.VMEM((_BPW, D), jnp.float32),
            pltpu.SemaphoreType.DMA,
        ],
    )
    def gather_kernel(emb_hbm, idx_hbm, out_hbm, idx_v, rows_v, sem):
        wid = lax.axis_index("s") * _NC + lax.axis_index("c")
        base = wid * _BPW
        pltpu.sync_copy(idx_hbm.at[pl.ds(base, _BPW)], idx_v)
        pltpu.async_copy(emb_hbm.at[idx_v], rows_v, sem).wait()
        pltpu.sync_copy(rows_v, out_hbm.at[pl.ds(base, _BPW)])

    return gather_kernel(emb, idx)


def kernel(x, emb):
    idx, loss = _compute_indices(x, emb)
    x_q = _gather_sc(emb, idx)
    return x_q, loss[0, 0], idx

# --- scband reference (transcript-rebuilt; emitter-appended) ---
"""Pipeline reference for scband-letterquantizer-4140348473630 (READ-ONLY COPY).

The authoritative reference and input builder live on the scoring server;
editing this copy changes nothing except your own understanding.
"""

import jax, jax.numpy as jnp
import numpy as np

N_EMBED = 8192
EMBED_DIM = 256
MU = 0.25
BETA = 0.1


def setup_inputs(seed: int = 0) -> dict:
    key = jax.random.key(seed)
    k1, k2 = jax.random.split(key)
    x = jax.random.normal(k1, (8192, EMBED_DIM), dtype=jnp.float32)
    # nn.Embedding weight with kmeans_init=False: uniform(-1/n_embed, 1/n_embed)
    emb = jax.random.uniform(k2, (N_EMBED, EMBED_DIM), dtype=jnp.float32,
                             minval=-1.0 / N_EMBED, maxval=1.0 / N_EMBED)
    return {"x": x, "emb": emb}


def reference(x, emb):
    # Squared L2 distances between x (B, D) and codebook emb (K, D)
    d = (jnp.sum(x ** 2, axis=1, keepdims=True)
         + jnp.sum(emb ** 2, axis=1)[None, :]
         - 2.0 * jnp.matmul(x, emb.T))
    # use_sk=False / sk_epsilon=0.0 path: hard nearest-code assignment
    indices = jnp.argmin(d, axis=1)
    x_q = jnp.take(emb, indices, axis=0)
    # VQ losses: codebook loss + mu * commitment loss
    commitment_loss = jnp.mean((jax.lax.stop_gradient(x_q) - x) ** 2)
    codebook_loss = jnp.mean((x_q - jax.lax.stop_gradient(x)) ** 2)
    # diversity loss: cluster_indices is empty at init (cluster_labels all zero,
    # no codes registered per cluster), so diversity_loss returns 0 -> beta * 0
    diversity = jnp.float32(0.0)
    loss = codebook_loss + MU * commitment_loss + BETA * diversity
    # Straight-through estimator
    x_q_st = x + jax.lax.stop_gradient(x_q - x)
    return x_q_st, loss, indices

if __name__ == "__main__":
    import jax
    _d = setup_inputs()
    print(jax.jit(kernel)(*tuple(_d.values())))

</pallas_src>

<mosaic_0001>
#map = affine_map<(d0, d1) -> (0, 0)>
#map1 = affine_map<(d0, d1) -> (0)>
module attributes {stable_mosaic.version = 14 : i64} {
  func.func @gather_kernel(%arg0: i32, %arg1: i32, %arg2: memref<8192x256xf32, #tpu.memory_space<hbm>>, %arg3: memref<8192xi32, #tpu.memory_space<hbm>>, %arg4: memref<8192x256xf32, #tpu.memory_space<hbm>>, %arg5: memref<256xi32, #tpu.memory_space<vmem>>, %arg6: memref<256x256xf32, #tpu.memory_space<vmem>>, %arg7: memref<!tpu.dma_semaphore, #tpu.memory_space<semaphore_mem>>) attributes {dimension_semantics = [#tpu.dimension_semantics<core_parallel>, #tpu.dimension_semantics<subcore_parallel>], iteration_bounds = array<i64: 2, 16>, scalar_prefetch = 0 : i64, scratch_operands = 3 : i64, tpu.core_type = #tpu.core_type<sc_vector_subcore>, window_params = [{transform_indices = #map}, {transform_indices = #map1}, {transform_indices = #map}]} {
    %mul3A = arith.constant 2 : i32
    %mul3A_0 = arith.muli %arg1, %mul3A : i32
    %add3A = arith.addi %mul3A_0, %arg0 : i32
    %mul3A_1 = arith.constant 256 : i32
    %mul3A_2 = arith.muli %add3A, %mul3A_1 : i32
    "tpu.region"() ({
      %run_scoped3A = tpu.sem_alloc : memref<!tpu.dma_semaphore, #tpu.memory_space<semaphore_mem>>
      %dma_start3A_7 = tpu.memref_slice %arg3[%mul3A_2] : memref<8192xi32, #tpu.memory_space<hbm>> -> memref<256xi32, #tpu.memory_space<hbm>>
      %dma_start3A_8 = tpu.memref_slice %arg3[%mul3A_2] : memref<8192xi32, #tpu.memory_space<hbm>> -> memref<256xi32, #tpu.memory_space<hbm>>
      tpu.enqueue_dma source(%dma_start3A_8 : memref<256xi32, #tpu.memory_space<hbm>>) target(%arg5 : memref<256xi32, #tpu.memory_space<vmem>>) target_semaphore(%run_scoped3A : memref<!tpu.dma_semaphore, #tpu.memory_space<semaphore_mem>>)
      %dma_wait3A_9 = tpu.memref_slice %arg3[%mul3A_2] : memref<8192xi32, #tpu.memory_space<hbm>> -> memref<256xi32, #tpu.memory_space<hbm>>
      %dma_wait3A_10 = tpu.memref_slice %arg3[%mul3A_2] : memref<8192xi32, #tpu.memory_space<hbm>> -> memref<256xi32, #tpu.memory_space<hbm>>
      tpu.wait_dma2 semaphore(%run_scoped3A : memref<!tpu.dma_semaphore, #tpu.memory_space<semaphore_mem>>) src(%dma_wait3A_10 : memref<256xi32, #tpu.memory_space<hbm>>) dst(%arg5 : memref<256xi32, #tpu.memory_space<vmem>>)
      tpu.yield
    }) : () -> ()
    %dma_start3A = arith.constant 0 : i32
    %dma_start3A_3 = arith.constant 0 : i32
    %dma_start3A_4 = tpu.memref_slice %arg2[%dma_start3A, %dma_start3A_3] : memref<8192x256xf32, #tpu.memory_space<hbm>> -> memref<8192x256xf32, #tpu.memory_space<hbm>>
    tpu.enqueue_indirect_dma source(%dma_start3A_4 : memref<8192x256xf32, #tpu.memory_space<hbm>>) target(%arg6 : memref<256x256xf32, #tpu.memory_space<vmem>>) offsets(%arg5 : memref<256xi32, #tpu.memory_space<vmem>>) semaphore(%arg7 : memref<!tpu.dma_semaphore, #tpu.memory_space<semaphore_mem>>)
    %dma_wait3A = arith.constant 0 : i32
    %dma_wait3A_5 = arith.constant 0 : i32
    %dma_wait3A_6 = tpu.memref_slice %arg2[%dma_wait3A, %dma_wait3A_5] : memref<8192x256xf32, #tpu.memory_space<hbm>> -> memref<8192x256xf32, #tpu.memory_space<hbm>>
    tpu.wait_indirect_dma semaphore(%arg7 : memref<!tpu.dma_semaphore, #tpu.memory_space<semaphore_mem>>) src(%dma_wait3A_6 : memref<8192x256xf32, #tpu.memory_space<hbm>>) dst(%arg6 : memref<256x256xf32, #tpu.memory_space<vmem>>)
    "tpu.region"() ({
      %run_scoped3A = tpu.sem_alloc : memref<!tpu.dma_semaphore, #tpu.memory_space<semaphore_mem>>
      %dma_start3A_7 = arith.constant 0 : i32
      %dma_start3A_8 = tpu.memref_slice %arg4[%mul3A_2, %dma_start3A_7] : memref<8192x256xf32, #tpu.memory_space<hbm>> -> memref<256x256xf32, #tpu.memory_space<hbm>>
      %dma_start3A_9 = arith.constant 0 : i32
      %dma_start3A_10 = tpu.memref_slice %arg4[%mul3A_2, %dma_start3A_9] : memref<8192x256xf32, #tpu.memory_space<hbm>> -> memref<256x256xf32, #tpu.memory_space<hbm>>
      tpu.enqueue_dma source(%arg6 : memref<256x256xf32, #tpu.memory_space<vmem>>) target(%dma_start3A_10 : memref<256x256xf32, #tpu.memory_space<hbm>>) target_semaphore(%run_scoped3A : memref<!tpu.dma_semaphore, #tpu.memory_space<semaphore_mem>>)
      %dma_wait3A_11 = arith.constant 0 : i32
      %dma_wait3A_12 = tpu.memref_slice %arg4[%mul3A_2, %dma_wait3A_11] : memref<8192x256xf32, #tpu.memory_space<hbm>> -> memref<256x256xf32, #tpu.memory_space<hbm>>
      %dma_wait3A_13 = arith.constant 0 : i32
      %dma_wait3A_14 = tpu.memref_slice %arg4[%mul3A_2, %dma_wait3A_13] : memref<8192x256xf32, #tpu.memory_space<hbm>> -> memref<256x256xf32, #tpu.memory_space<hbm>>
      tpu.wait_dma2 semaphore(%run_scoped3A : memref<!tpu.dma_semaphore, #tpu.memory_space<semaphore_mem>>) src(%arg6 : memref<256x256xf32, #tpu.memory_space<vmem>>) dst(%dma_wait3A_14 : memref<256x256xf32, #tpu.memory_space<hbm>>)
      tpu.yield
    }) : () -> ()
    return
  }
}

module attributes {stable_mosaic.version = 14 : i64} {
  func.func @_argmin_body(%arg0: i32, %arg1: memref<1024x256xf32, #tpu.memory_space<vmem>>, %arg2: memref<8192x256xf32, #tpu.memory_space<vmem>>, %arg3: memref<8x128xi32, #tpu.memory_space<vmem>>, %arg4: memref<1x1xf32, #tpu.memory_space<vmem>>, %arg5: memref<1x8192xf32, #tpu.memory_space<vmem>>, %arg6: memref<1xf32, #tpu.memory_space<smem>>) attributes {dimension_semantics = [#tpu.dimension_semantics<arbitrary>], iteration_bounds = array<i64: 8>, scalar_prefetch = 0 : i64, scratch_operands = 2 : i64, tpu.core_type = #tpu.core_type<tc>, window_params = [{transform_indices = @transform_0, window_bounds = array<i64: 1024, 256>}, {pipeline_mode = #tpu.pipeline_mode<synchronous>, transform_indices = @transform_1, window_bounds = array<i64: 8192, 256>}, {transform_indices = @transform_2, window_bounds = array<i64: 8, 128>}, {pipeline_mode = #tpu.pipeline_mode<synchronous>, transform_indices = @transform_3, window_bounds = array<i64: 1, 1>}]} {
    %get3A = arith.constant 0 : index
    %get3A_0 = arith.constant 0 : index
    %get3A_1 = vector.load %arg1[%get3A, %get3A_0] : memref<1024x256xf32, #tpu.memory_space<vmem>>, vector<1024x256xf32>
    %get3A_2 = arith.constant 0 : index
    %get3A_3 = arith.constant 0 : index
    %get3A_4 = vector.load %arg2[%get3A_2, %get3A_3] : memref<8192x256xf32, #tpu.memory_space<vmem>>, vector<8192x256xf32>
    %eq3A = arith.constant 0 : i32
    %eq3A_5 = arith.cmpi eq, %arg0, %eq3A : i32
    %convert_element_type3A = arith.extui %eq3A_5 : i1 to i32
    %cond3A = arith.constant 0 : i32
    %cond3A_6 = arith.cmpi ne, %convert_element_type3A, %cond3A : i32
    scf.if %cond3A_6 {
      %broadcast_in_dim3A_680 = arith.constant 1.000000e+00 : f32
      %broadcast_in_dim3A_681 = vector.broadcast %broadcast_in_dim3A_680 : f32 to vector<1x256xf32>
      %mul3A_682 = arith.mulf %get3A_4, %get3A_4 : vector<8192x256xf32>
      %dot_general3A_683 = arith.constant dense<0.000000e+00> : vector<1x8192xf32>
      %dot_general3A_684 = tpu.matmul %broadcast_in_dim3A_681, %mul3A_682, %dot_general3A_683 {dimension_numbers = #tpu.dot_dimension_numbers<[1], [1], [0], [0], [0, 0, 1, 0], [], []>, transpose_lhs_hint = false} : vector<1x256xf32>, vector<8192x256xf32>, vector<1x8192xf32> -> vector<1x8192xf32>
      %swap3A_685 = arith.constant 0 : index
      %swap3A_686 = arith.constant 0 : index
      %swap3A_687 = vector.load %arg5[%swap3A_685, %swap3A_686] : memref<1x8192xf32, #tpu.memory_space<vmem>>, vector<1x8192xf32>
      tpu.vector_store %arg5[%swap3A_685, %swap3A_686], %dot_general3A_684 {strides = array<i32>} : memref<1x8192xf32, #tpu.memory_space<vmem>>, vector<1x8192xf32>,
    } else {
    }
    %mul3A = arith.mulf %get3A_1, %get3A_1 : vector<1024x256xf32>
    %reduce_sum3A = arith.constant dense<0.000000e+00> : vector<1024xf32>
    %reduce_sum3A_7 = vector.multi_reduction <add>, %mul3A, %reduce_sum3A [1] : vector<1024x256xf32> to vector<1024xf32>
    %broadcast_in_dim3A = vector.shape_cast %reduce_sum3A_7 : vector<1024xf32> to vector<1024x1xf32>
    %add3A = arith.addf %get3A_1, %get3A_1 : vector<1024x256xf32>
    %dot_general3A = arith.constant dense<0.000000e+00> : vector<1024x8192xf32>
    %dot_general3A_8 = tpu.matmul %add3A, %get3A_4, %dot_general3A {dimension_numbers = #tpu.dot_dimension_numbers<[1], [1], [0], [0], [0, 0, 1, 0], [], []>, transpose_lhs_hint = false} : vector<1024x256xf32>, vector<8192x256xf32>, vector<1024x8192xf32> -> vector<1024x8192xf32>
    %get3A_9 = arith.constant 0 : index
    %get3A_10 = arith.constant 0 : index
    %get3A_11 = vector.load %arg5[%get3A_9, %get3A_10] : memref<1x8192xf32, #tpu.memory_space<vmem>>, vector<1x8192xf32>
    %broadcast_in_dim3A_12 = vector.shape_cast %broadcast_in_dim3A : vector<1024x1xf32> to vector<1024x1xf32>
    %broadcast_in_dim3A_13 = vector.broadcast %broadcast_in_dim3A_12 : vector<1024x1xf32> to vector<1024x128xf32>
    %slice3A = vector.extract_strided_slice %get3A_11 {offsets = [0, 0], sizes = [1, 128], strides = [1, 1]} : vector<1x8192xf32> to vector<1x128xf32>
    %add3A_14 = vector.broadcast %slice3A : vector<1x128xf32> to vector<1024x128xf32>
    %add3A_15 = arith.addf %broadcast_in_dim3A_13, %add3A_14 : vector<1024x128xf32>
    %slice3A_16 = vector.extract_strided_slice %dot_general3A_8 {offsets = [0, 0], sizes = [1024, 128], strides = [1, 1]} : vector<1024x8192xf32> to vector<1024x128xf32>
    %sub3A = arith.subf %add3A_15, %slice3A_16 : vector<1024x128xf32>
    %slice3A_17 = vector.extract_strided_slice %get3A_11 {offsets = [0, 128], sizes = [1, 128], strides = [1, 1]} : vector<1x8192xf32> to vector<1x128xf32>
    %add3A_18 = vector.broadcast %slice3A_17 : vector<1x128xf32> to vector<1024x128xf32>
    %add3A_19 = arith.addf %broadcast_in_dim3A_13, %add3A_18 : vector<1024x128xf32>
    %slice3A_20 = vector.extract_strided_slice %dot_general3A_8 {offsets = [0, 128], sizes = [1024, 128], strides = [1, 1]} : vector<1024x8192xf32> to vector<1024x128xf32>
    %sub3A_21 = arith.subf %add3A_19, %slice3A_20 : vector<1024x128xf32>
    %slice3A_22 = vector.extract_strided_slice %get3A_11 {offsets = [0, 256], sizes = [1, 128], strides = [1, 1]} : vector<1x8192xf32> to vector<1x128xf32>
    %add3A_23 = vector.broadcast %slice3A_22 : vector<1x128xf32> to vector<1024x128xf32>
    %add3A_24 = arith.addf %broadcast_in_dim3A_13, %add3A_23 : vector<1024x128xf32>
    %slice3A_25 = vector.extract_strided_slice %dot_general3A_8 {offsets = [0, 256], sizes = [1024, 128], strides = [1, 1]} : vector<1024x8192xf32> to vector<1024x128xf32>
    %sub3A_26 = arith.subf %add3A_24, %slice3A_25 : vector<1024x128xf32>
    %slice3A_27 = vector.extract_strided_slice %get3A_11 {offsets = [0, 384], sizes = [1, 128], strides = [1, 1]} : vector<1x8192xf32> to vector<1x128xf32>
    %add3A_28 = vector.broadcast %slice3A_27 : vector<1x128xf32> to vector<1024x128xf32>
    %add3A_29 = arith.addf %broadcast_in_dim3A_13, %add3A_28 : vector<1024x128xf32>
    %slice3A_30 = vector.extract_strided_slice %dot_general3A_8 {offsets = [0, 384], sizes = [1024, 128], strides = [1, 1]} : vector<1024x8192xf32> to vector<1024x128xf32>
    %sub3A_31 = arith.subf %add3A_29, %slice3A_30 : vector<1024x128xf32>
    %min3A = arith.minimumf %sub3A, %sub3A_21 : vector<1024x128xf32>
    %lt3A = arith.cmpf olt, %sub3A_21, %sub3A : vector<1024x128xf32>
    %min3A_32 = arith.minimumf %sub3A_26, %sub3A_31 : vector<1024x128xf32>
    %lt3A_33 = arith.cmpf olt, %sub3A_31, %sub3A_26 : vector<1024x128xf32>
    %min3A_34 = arith.minimumf %min3A, %min3A_32 : vector<1024x128xf32>
    %lt3A_35 = arith.cmpf olt, %min3A_32, %min3A : vector<1024x128xf32>
    %jit3A = arith.constant 1 : i32
    %jit3A_36 = arith.constant 0 : i32
    %broadcast_in_dim3A_37 = vector.broadcast %jit3A : i32 to vector<1024x128xi32>
    %broadcast_in_dim3A_38 = vector.broadcast %jit3A_36 : i32 to vector<1024x128xi32>
    %select_n3A = arith.select %lt3A, %broadcast_in_dim3A_37, %broadcast_in_dim3A_38 : vector<1024x128xi1>, vector<1024x128xi32>
    %jit3A_39 = arith.constant 3 : i32
    %jit3A_40 = arith.constant 2 : i32
    %broadcast_in_dim3A_41 = vector.broadcast %jit3A_39 : i32 to vector<1024x128xi32>
    %broadcast_in_dim3A_42 = vector.broadcast %jit3A_40 : i32 to vector<1024x128xi32>
    %select_n3A_43 = arith.select %lt3A_33, %broadcast_in_dim3A_41, %broadcast_in_dim3A_42 : vector<1024x128xi1>, vector<1024x128xi32>
    %select_n3A_44 = arith.select %lt3A_35, %select_n3A_43, %select_n3A : vector<1024x128xi1>, vector<1024x128xi32>
    %slice3A_45 = vector.extract_strided_slice %get3A_11 {offsets = [0, 512], sizes = [1, 128], strides = [1, 1]} : vector<1x8192xf32> to vector<1x128xf32>
    %add3A_46 = vector.broadcast %slice3A_45 : vector<1x128xf32> to vector<1024x128xf32>
    %add3A_47 = arith.addf %broadcast_in_dim3A_13, %add3A_46 : vector<1024x128xf32>
    %slice3A_48 = vector.extract_strided_slice %dot_general3A_8 {offsets = [0, 512], sizes = [1024, 128], strides = [1, 1]} : vector<1024x8192xf32> to vector<1024x128xf32>
    %sub3A_49 = arith.subf %add3A_47, %slice3A_48 : vector<1024x128xf32>
    %slice3A_50 = vector.extract_strided_slice %get3A_11 {offsets = [0, 640], sizes = [1, 128], strides = [1, 1]} : vector<1x8192xf32> to vector<1x128xf32>
    %add3A_51 = vector.broadcast %slice3A_50 : vector<1x128xf32> to vector<1024x128xf32>
    %add3A_52 = arith.addf %broadcast_in_dim3A_13, %add3A_51 : vector<1024x128xf32>
    %slice3A_53 = vector.extract_strided_slice %dot_general3A_8 {offsets = [0, 640], sizes = [1024, 128], strides = [1, 1]} : vector<1024x8192xf32> to vector<1024x128xf32>
    %sub3A_54 = arith.subf %add3A_52, %slice3A_53 : vector<1024x128xf32>
    %slice3A_55 = vector.extract_strided_slice %get3A_11 {offsets = [0, 768], sizes = [1, 128], strides = [1, 1]} : vector<1x8192xf32> to vector<1x128xf32>
    %add3A_56 = vector.broadcast %slice3A_55 : vector<1x128xf32> to vector<1024x128xf32>
    %add3A_57 = arith.addf %broadcast_in_dim3A_13, %add3A_56 : vector<1024x128xf32>
    %slice3A_58 = vector.extract_strided_slice %dot_general3A_8 {offsets = [0, 768], sizes = [1024, 128], strides = [1, 1]} : vector<1024x8192xf32> to vector<1024x128xf32>
    %sub3A_59 = arith.subf %add3A_57, %slice3A_58 : vector<1024x128xf32>
    %slice3A_60 = vector.extract_strided_slice %get3A_11 {offsets = [0, 896], sizes = [1, 128], strides = [1, 1]} : vector<1x8192xf32> to vector<1x128xf32>
    %add3A_61 = vector.broadcast %slice3A_60 : vector<1x128xf32> to vector<1024x128xf32>
    %add3A_62 = arith.addf %broadcast_in_dim3A_13, %add3A_61 : vector<1024x128xf32>
    %slice3A_63 = vector.extract_strided_slice %dot_general3A_8 {offsets = [0, 896], sizes = [1024, 128], strides = [1, 1]} : vector<1024x8192xf32> to vector<1024x128xf32>
    %sub3A_64 = arith.subf %add3A_62, %slice3A_63 : vector<1024x128xf32>
    %min3A_65 = arith.minimumf %sub3A_49, %sub3A_54 : vector<1024x128xf32>
    %lt3A_66 = arith.cmpf olt, %sub3A_54, %sub3A_49 : vector<1024x128xf32>
    %min3A_67 = arith.minimumf %sub3A_59, %sub3A_64 : vector<1024x128xf32>
    %lt3A_68 = arith.cmpf olt, %sub3A_64, %sub3A_59 : vector<1024x128xf32>
    %min3A_69 = arith.minimumf %min3A_65, %min3A_67 : vector<1024x128xf32>
    %lt3A_70 = arith.cmpf olt, %min3A_67, %min3A_65 : vector<1024x128xf32>
    %jit3A_71 = arith.constant 5 : i32
    %jit3A_72 = arith.constant 4 : i32
    %broadcast_in_dim3A_73 = vector.broadcast %jit3A_71 : i32 to vector<1024x128xi32>
    %broadcast_in_dim3A_74 = vector.broadcast %jit3A_72 : i32 to vector<1024x128xi32>
    %select_n3A_75 = arith.select %lt3A_66, %broadcast_in_dim3A_73, %broadcast_in_dim3A_74 : vector<1024x128xi1>, vector<1024x128xi32>
    %jit3A_76 = arith.constant 7 : i32
    %jit3A_77 = arith.constant 6 : i32
    %broadcast_in_dim3A_78 = vector.broadcast %jit3A_76 : i32 to vector<1024x128xi32>
    %broadcast_in_dim3A_79 = vector.broadcast %jit3A_77 : i32 to vector<1024x128xi32>
    %select_n3A_80 = arith.select %lt3A_68, %broadcast_in_dim3A_78, %broadcast_in_dim3A_79 : vector<1024x128xi1>, vector<1024x128xi32>
    %select_n3A_81 = arith.select %lt3A_70, %select_n3A_80, %select_n3A_75 : vector<1024x128xi1>, vector<1024x128xi32>
    %lt3A_82 = arith.cmpf olt, %min3A_69, %min3A_34 : vector<1024x128xf32>
    %select_n3A_83 = arith.select %lt3A_82, %select_n3A_81, %select_n3A_44 : vector<1024x128xi1>, vector<1024x128xi32>
    %min3A_84 = arith.minimumf %min3A_34, %min3A_69 : vector<1024x128xf32>
    %slice3A_85 = vector.extract_strided_slice %get3A_11 {offsets = [0, 1024], sizes = [1, 128], strides = [1, 1]} : vector<1x8192xf32> to vector<1x128xf32>
    %add3A_86 = vector.broadcast %slice3A_85 : vector<1x128xf32> to vector<1024x128xf32>
    %add3A_87 = arith.addf %broadcast_in_dim3A_13, %add3A_86 : vector<1024x128xf32>
    %slice3A_88 = vector.extract_strided_slice %dot_general3A_8 {offsets = [0, 1024], sizes = [1024, 128], strides = [1, 1]} : vector<1024x8192xf32> to vector<1024x128xf32>
    %sub3A_89 = arith.subf %add3A_87, %slice3A_88 : vector<1024x128xf32>
    %slice3A_90 = vector.extract_strided_slice %get3A_11 {offsets = [0, 1152], sizes = [1, 128], strides = [1, 1]} : vector<1x8192xf32> to vector<1x128xf32>
    %add3A_91 = vector.broadcast %slice3A_90 : vector<1x128xf32> to vector<1024x128xf32>
    %add3A_92 = arith.addf %broadcast_in_dim3A_13, %add3A_91 : vector<1024x128xf32>
    %slice3A_93 = vector.extract_strided_slice %dot_general3A_8 {offsets = [0, 1152], sizes = [1024, 128], strides = [1, 1]} : vector<1024x8192xf32> to vector<1024x128xf32>
    %sub3A_94 = arith.subf %add3A_92, %slice3A_93 : vector<1024x128xf32>
    %slice3A_95 = vector.extract_strided_slice %get3A_11 {offsets = [0, 1280], sizes = [1, 128], strides = [1, 1]} : vector<1x8192xf32> to vector<1x128xf32>
    %add3A_96 = vector.broadcast %slice3A_95 : vector<1x128xf32> to vector<1024x128xf32>
    %add3A_97 = arith.addf %broadcast_in_dim3A_13, %add3A_96 : vector<1024x128xf32>
    %slice3A_98 = vector.extract_strided_slice %dot_general3A_8 {offsets = [0, 1280], sizes = [1024, 128], strides = [1, 1]} : vector<1024x8192xf32> to vector<1024x128xf32>
    %sub3A_99 = arith.subf %add3A_97, %slice3A_98 : vector<1024x128xf32>
    %slice3A_100 = vector.extract_strided_slice %get3A_11 {offsets = [0, 1408], sizes = [1, 128], strides = [1, 1]} : vector<1x8192xf32> to vector<1x128xf32>
    %add3A_101 = vector.broadcast %slice3A_100 : vector<1x128xf32> to vector<1024x128xf32>
    %add3A_102 = arith.addf %broadcast_in_dim3A_13, %add3A_101 : vector<1024x128xf32>
    %slice3A_103 = vector.extract_strided_slice %dot_general3A_8 {offsets = [0, 1408], sizes = [1024, 128], strides = [1, 1]} : vector<1024x8192xf32> to vector<1024x128xf32>
    %sub3A_104 = arith.subf %add3A_102, %slice3A_103 : vector<1024x128xf32>
    %min3A_105 = arith.minimumf %sub3A_89, %sub3A_94 : vector<1024x128xf32>
    %lt3A_106 = arith.cmpf olt, %sub3A_94, %sub3A_89 : vector<1024x128xf32>
    %min3A_107 = arith.minimumf %sub3A_99, %sub3A_104 : vector<1024x128xf32>
    %lt3A_108 = arith.cmpf olt, %sub3A_104, %sub3A_99 : vector<1024x128xf32>
    %min3A_109 = arith.minimumf %min3A_105, %min3A_107 : vector<1024x128xf32>
    %lt3A_110 = arith.cmpf olt, %min3A_107, %min3A_105 : vector<1024x128xf32>
    %jit3A_111 = arith.constant 9 : i32
    %jit3A_112 = arith.constant 8 : i32
    %broadcast_in_dim3A_113 = vector.broadcast %jit3A_111 : i32 to vector<1024x128xi32>
    %broadcast_in_dim3A_114 = vector.broadcast %jit3A_112 : i32 to vector<1024x128xi32>
    %select_n3A_115 = arith.select %lt3A_106, %broadcast_in_dim3A_113, %broadcast_in_dim3A_114 : vector<1024x128xi1>, vector<1024x128xi32>
    %jit3A_116 = arith.constant 11 : i32
    %jit3A_117 = arith.constant 10 : i32
    %broadcast_in_dim3A_118 = vector.broadcast %jit3A_116 : i32 to vector<1024x128xi32>
    %broadcast_in_dim3A_119 = vector.broadcast %jit3A_117 : i32 to vector<1024x128xi32>
    %select_n3A_120 = arith.select %lt3A_108, %broadcast_in_dim3A_118, %broadcast_in_dim3A_119 : vector<1024x128xi1>, vector<1024x128xi32>
    %select_n3A_121 = arith.select %lt3A_110, %select_n3A_120, %select_n3A_115 : vector<1024x128xi1>, vector<1024x128xi32>
    %lt3A_122 = arith.cmpf olt, %min3A_109, %min3A_84 : vector<1024x128xf32>
    %select_n3A_123 = arith.select %lt3A_122, %select_n3A_121, %select_n3A_83 : vector<1024x128xi1>, vector<1024x128xi32>
    %min3A_124 = arith.minimumf %min3A_84, %min3A_109 : vector<1024x128xf32>
    %slice3A_125 = vector.extract_strided_slice %get3A_11 {offsets = [0, 1536], sizes = [1, 128], strides = [1, 1]} : vector<1x8192xf32> to vector<1x128xf32>
    %add3A_126 = vector.broadcast %slice3A_125 : vector<1x128xf32> to vector<1024x128xf32>
    %add3A_127 = arith.addf %broadcast_in_dim3A_13, %add3A_126 : vector<1024x128xf32>
    %slice3A_128 = vector.extract_strided_slice %dot_general3A_8 {offsets = [0, 1536], sizes = [1024, 128], strides = [1, 1]} : vector<1024x8192xf32> to vector<1024x128xf32>
    %sub3A_129 = arith.subf %add3A_127, %slice3A_128 : vector<1024x128xf32>
    %slice3A_130 = vector.extract_strided_slice %get3A_11 {offsets = [0, 1664], sizes = [1, 128], strides = [1, 1]} : vector<1x8192xf32> to vector<1x128xf32>
    %add3A_131 = vector.broadcast %slice3A_130 : vector<1x128xf32> to vector<1024x128xf32>
    %add3A_132 = arith.addf %broadcast_in_dim3A_13, %add3A_131 : vector<1024x128xf32>
    %slice3A_133 = vector.extract_strided_slice %dot_general3A_8 {offsets = [0, 1664], sizes = [1024, 128], strides = [1, 1]} : vector<1024x8192xf32> to vector<1024x128xf32>
    %sub3A_134 = arith.subf %add3A_132, %slice3A_133 : vector<1024x128xf32>
    %slice3A_135 = vector.extract_strided_slice %get3A_11 {offsets = [0, 1792], sizes = [1, 128], strides = [1, 1]} : vector<1x8192xf32> to vector<1x128xf32>
    %add3A_136 = vector.broadcast %slice3A_135 : vector<1x128xf32> to vector<1024x128xf32>
    %add3A_137 = arith.addf %broadcast_in_dim3A_13, %add3A_136 : vector<1024x128xf32>
    %slice3A_138 = vector.extract_strided_slice %dot_general3A_8 {offsets = [0, 1792], sizes = [1024, 128], strides = [1, 1]} : vector<1024x8192xf32> to vector<1024x128xf32>
    %sub3A_139 = arith.subf %add3A_137, %slice3A_138 : vector<1024x128xf32>
    %slice3A_140 = vector.extract_strided_slice %get3A_11 {offsets = [0, 1920], sizes = [1, 128], strides = [1, 1]} : vector<1x8192xf32> to vector<1x128xf32>
    %add3A_141 = vector.broadcast %slice3A_140 : vector<1x128xf32> to vector<1024x128xf32>
    %add3A_142 = arith.addf %broadcast_in_dim3A_13, %add3A_141 : vector<1024x128xf32>
    %slice3A_143 = vector.extract_strided_slice %dot_general3A_8 {offsets = [0, 1920], sizes = [1024, 128], strides = [1, 1]} : vector<1024x8192xf32> to vector<1024x128xf32>
    %sub3A_144 = arith.subf %add3A_142, %slice3A_143 : vector<1024x128xf32>
    %min3A_145 = arith.minimumf %sub3A_129, %sub3A_134 : vector<1024x128xf32>
    %lt3A_146 = arith.cmpf olt, %sub3A_134, %sub3A_129 : vector<1024x128xf32>
    %min3A_147 = arith.minimumf %sub3A_139, %sub3A_144 : vector<1024x128xf32>
    %lt3A_148 = arith.cmpf olt, %sub3A_144, %sub3A_139 : vector<1024x128xf32>
    %min3A_149 = arith.minimumf %min3A_145, %min3A_147 : vector<1024x128xf32>
    %lt3A_150 = arith.cmpf olt, %min3A_147, %min3A_145 : vector<1024x128xf32>
    %jit3A_151 = arith.constant 13 : i32
    %jit3A_152 = arith.constant 12 : i32
    %broadcast_in_dim3A_153 = vector.broadcast %jit3A_151 : i32 to vector<1024x128xi32>
    %broadcast_in_dim3A_154 = vector.broadcast %jit3A_152 : i32 to vector<1024x128xi32>
    %select_n3A_155 = arith.select %lt3A_146, %broadcast_in_dim3A_153, %broadcast_in_dim3A_154 : vector<1024x128xi1>, vector<1024x128xi32>
    %jit3A_156 = arith.constant 15 : i32
    %jit3A_157 = arith.constant 14 : i32
    %broadcast_in_dim3A_158 = vector.broadcast %jit3A_156 : i32 to vector<1024x128xi32>
    %broadcast_in_dim3A_159 = vector.broadcast %jit3A_157 : i32 to vector<1024x128xi32>
    %select_n3A_160 = arith.select %lt3A_148, %broadcast_in_dim3A_158, %broadcast_in_dim3A_159 : vector<1024x128xi1>, vector<1024x128xi32>
    %select_n3A_161 = arith.select %lt3A_150, %select_n3A_160, %select_n3A_155 : vector<1024x128xi1>, vector<1024x128xi32>
    %lt3A_162 = arith.cmpf olt, %min3A_149, %min3A_124 : vector<1024x128xf32>
    %select_n3A_163 = arith.select %lt3A_162, %select_n3A_161, %select_n3A_123 : vector<1024x128xi1>, vector<1024x128xi32>
    %min3A_164 = arith.minimumf %min3A_124, %min3A_149 : vector<1024x128xf32>
    %slice3A_165 = vector.extract_strided_slice %get3A_11 {offsets = [0, 2048], sizes = [1, 128], strides = [1, 1]} : vector<1x8192xf32> to vector<1x128xf32>
    %add3A_166 = vector.broadcast %slice3A_165 : vector<1x128xf32> to vector<1024x128xf32>
    %add3A_167 = arith.addf %broadcast_in_dim3A_13, %add3A_166 : vector<1024x128xf32>
    %slice3A_168 = vector.extract_strided_slice %dot_general3A_8 {offsets = [0, 2048], sizes = [1024, 128], strides = [1, 1]} : vector<1024x8192xf32> to vector<1024x128xf32>
    %sub3A_169 = arith.subf %add3A_167, %slice3A_168 : vector<1024x128xf32>
    %slice3A_170 = vector.extract_strided_slice %get3A_11 {offsets = [0, 2176], sizes = [1, 128], strides = [1, 1]} : vector<1x8192xf32> to vector<1x128xf32>
    %add3A_171 = vector.broadcast %slice3A_170 : vector<1x128xf32> to vector<1024x128xf32>
    %add3A_172 = arith.addf %broadcast_in_dim3A_13, %add3A_171 : vector<1024x128xf32>
    %slice3A_173 = vector.extract_strided_slice %dot_general3A_8 {offsets = [0, 2176], sizes = [1024, 128], strides = [1, 1]} : vector<1024x8192xf32> to vector<1024x128xf32>
    %sub3A_174 = arith.subf %add3A_172, %slice3A_173 : vector<1024x128xf32>
    %slice3A_175 = vector.extract_strided_slice %get3A_11 {offsets = [0, 2304], sizes = [1, 128], strides = [1, 1]} : vector<1x8192xf32> to vector<1x128xf32>
    %add3A_176 = vector.broadcast %slice3A_175 : vector<1x128xf32> to vector<1024x128xf32>
    %add3A_177 = arith.addf %broadcast_in_dim3A_13, %add3A_176 : vector<1024x128xf32>
    %slice3A_178 = vector.extract_strided_slice %dot_general3A_8 {offsets = [0, 2304], sizes = [1024, 128], strides = [1, 1]} : vector<1024x8192xf32> to vector<1024x128xf32>
    %sub3A_179 = arith.subf %add3A_177, %slice3A_178 : vector<1024x128xf32>
    %slice3A_180 = vector.extract_strided_slice %get3A_11 {offsets = [0, 2432], sizes = [1, 128], strides = [1, 1]} : vector<1x8192xf32> to vector<1x128xf32>
    %add3A_181 = vector.broadcast %slice3A_180 : vector<1x128xf32> to vector<1024x128xf32>
    %add3A_182 = arith.addf %broadcast_in_dim3A_13, %add3A_181 : vector<1024x128xf32>
    %slice3A_183 = vector.extract_strided_slice %dot_general3A_8 {offsets = [0, 2432], sizes = [1024, 128], strides = [1, 1]} : vector<1024x8192xf32> to vector<1024x128xf32>
    %sub3A_184 = arith.subf %add3A_182, %slice3A_183 : vector<1024x128xf32>
    %min3A_185 = arith.minimumf %sub3A_169, %sub3A_174 : vector<1024x128xf32>
    %lt3A_186 = arith.cmpf olt, %sub3A_174, %sub3A_169 : vector<1024x128xf32>
    %min3A_187 = arith.minimumf %sub3A_179, %sub3A_184 : vector<1024x128xf32>
    %lt3A_188 = arith.cmpf olt, %sub3A_184, %sub3A_179 : vector<1024x128xf32>
    %min3A_189 = arith.minimumf %min3A_185, %min3A_187 : vector<1024x128xf32>
    %lt3A_190 = arith.cmpf olt, %min3A_187, %min3A_185 : vector<1024x128xf32>
    %jit3A_191 = arith.constant 17 : i32
    %jit3A_192 = arith.constant 16 : i32
    %broadcast_in_dim3A_193 = vector.broadcast %jit3A_191 : i32 to vector<1024x128xi32>
    %broadcast_in_dim3A_194 = vector.broadcast %jit3A_192 : i32 to vector<1024x128xi32>
    %select_n3A_195 = arith.select %lt3A_186, %broadcast_in_dim3A_193, %broadcast_in_dim3A_194 : vector<1024x128xi1>, vector<1024x128xi32>
    %jit3A_196 = arith.constant 19 : i32
    %jit3A_197 = arith.constant 18 : i32
    %broadcast_in_dim3A_198 = vector.broadcast %jit3A_196 : i32 to vector<1024x128xi32>
    %broadcast_in_dim3A_199 = vector.broadcast %jit3A_197 : i32 to vector<1024x128xi32>
    %select_n3A_200 = arith.select %lt3A_188, %broadcast_in_dim3A_198, %broadcast_in_dim3A_199 : vector<1024x128xi1>, vector<1024x128xi32>
    %select_n3A_201 = arith.select %lt3A_190, %select_n3A_200, %select_n3A_195 : vector<1024x128xi1>, vector<1024x128xi32>
    %lt3A_202 = arith.cmpf olt, %min3A_189, %min3A_164 : vector<1024x128xf32>
    %select_n3A_203 = arith.select %lt3A_202, %select_n3A_201, %select_n3A_163 : vector<1024x128xi1>, vector<1024x128xi32>
    %min3A_204 = arith.minimumf %min3A_164, %min3A_189 : vector<1024x128xf32>
    %slice3A_205 = vector.extract_strided_slice %get3A_11 {offsets = [0, 2560], sizes = [1, 128], strides = [1, 1]} : vector<1x8192xf32> to vector<1x128xf32>
    %add3A_206 = vector.broadcast %slice3A_205 : vector<1x128xf32> to vector<1024x128xf32>
    %add3A_207 = arith.addf %broadcast_in_dim3A_13, %add3A_206 : vector<1024x128xf32>
    %slice3A_208 = vector.extract_strided_slice %dot_general3A_8 {offsets = [0, 2560], sizes = [1024, 128], strides = [1, 1]} : vector<1024x8192xf32> to vector<1024x128xf32>
    %sub3A_209 = arith.subf %add3A_207, %slice3A_208 : vector<1024x128xf32>
    %slice3A_210 = vector.extract_strided_slice %get3A_11 {offsets = [0, 2688], sizes = [1, 128], strides = [1, 1]} : vector<1x8192xf32> to vector<1x128xf32>
    %add3A_211 = vector.broadcast %slice3A_210 : vector<1x128xf32> to vector<1024x128xf32>
    %add3A_212 = arith.addf %broadcast_in_dim3A_13, %add3A_211 : vector<1024x128xf32>
    %slice3A_213 = vector.extract_strided_slice %dot_general3A_8 {offsets = [0, 2688], sizes = [1024, 128], strides = [1, 1]} : vector<1024x8192xf32> to vector<1024x128xf32>
    %sub3A_214 = arith.subf %add3A_212, %slice3A_213 : vector<1024x128xf32>
    %slice3A_215 = vector.extract_strided_slice %get3A_11 {offsets = [0, 2816], sizes = [1, 128], strides = [1, 1]} : vector<1x8192xf32> to vector<1x128xf32>
    %add3A_216 = vector.broadcast %slice3A_215 : vector<1x128xf32> to vector<1024x128xf32>
    %add3A_217 = arith.addf %broadcast_in_dim3A_13, %add3A_216 : vector<1024x128xf32>
    %slice3A_218 = vector.extract_strided_slice %dot_general3A_8 {offsets = [0, 2816], sizes = [1024, 128], strides = [1, 1]} : vector<1024x8192xf32> to vector<1024x128xf32>
    %sub3A_219 = arith.subf %add3A_217, %slice3A_218 : vector<1024x128xf32>
    %slice3A_220 = vector.extract_strided_slice %get3A_11 {offsets = [0, 2944], sizes = [1, 128], strides = [1, 1]} : vector<1x8192xf32> to vector<1x128xf32>
    %add3A_221 = vector.broadcast %slice3A_220 : vector<1x128xf32> to vector<1024x128xf32>
    %add3A_222 = arith.addf %broadcast_in_dim3A_13, %add3A_221 : vector<1024x128xf32>
    %slice3A_223 = vector.extract_strided_slice %dot_general3A_8 {offsets = [0, 2944], sizes = [1024, 128], strides = [1, 1]} : vector<1024x8192xf32> to vector<1024x128xf32>
    %sub3A_224 = arith.subf %add3A_222, %slice3A_223 : vector<1024x128xf32>
    %min3A_225 = arith.minimumf %sub3A_209, %sub3A_214 : vector<1024x128xf32>
    %lt3A_226 = arith.cmpf olt, %sub3A_214, %sub3A_209 : vector<1024x128xf32>
    %min3A_227 = arith.minimumf %sub3A_219, %sub3A_224 : vector<1024x128xf32>
    %lt3A_228 = arith.cmpf olt, %sub3A_224, %sub3A_219 : vector<1024x128xf32>
    %min3A_229 = arith.minimumf %min3A_225, %min3A_227 : vector<1024x128xf32>
    %lt3A_230 = arith.cmpf olt, %min3A_227, %min3A_225 : vector<1024x128xf32>
    %jit3A_231 = arith.constant 21 : i32
    %jit3A_232 = arith.constant 20 : i32
    %broadcast_in_dim3A_233 = vector.broadcast %jit3A_231 : i32 to vector<1024x128xi32>
    %broadcast_in_dim3A_234 = vector.broadcast %jit3A_232 : i32 to vector<1024x128xi32>
    %select_n3A_235 = arith.select %lt3A_226, %broadcast_in_dim3A_233, %broadcast_in_dim3A_234 : vector<1024x128xi1>, vector<1024x128xi32>
    %jit3A_236 = arith.constant 23 : i32
    %jit3A_237 = arith.constant 22 : i32
    %broadcast_in_dim3A_238 = vector.broadcast %jit3A_236 : i32 to vector<1024x128xi32>
    %broadcast_in_dim3A_239 = vector.broadcast %jit3A_237 : i32 to vector<1024x128xi32>
    %select_n3A_240 = arith.select %lt3A_228, %broadcast_in_dim3A_238, %broadcast_in_dim3A_239 : vector<1024x128xi1>, vector<1024x128xi32>
    %select_n3A_241 = arith.select %lt3A_230, %select_n3A_240, %select_n3A_235 : vector<1024x128xi1>, vector<1024x128xi32>
    %lt3A_242 = arith.cmpf olt, %min3A_229, %min3A_204 : vector<1024x128xf32>
    %select_n3A_243 = arith.select %lt3A_242, %select_n3A_241, %select_n3A_203 : vector<1024x128xi1>, vector<1024x128xi32>
    %min3A_244 = arith.minimumf %min3A_204, %min3A_229 : vector<1024x128xf32>
    %slice3A_245 = vector.extract_strided_slice %get3A_11 {offsets = [0, 3072], sizes = [1, 128], strides = [1, 1]} : vector<1x8192xf32> to vector<1x128xf32>
    %add3A_246 = vector.broadcast %slice3A_245 : vector<1x128xf32> to vector<1024x128xf32>
    %add3A_247 = arith.addf %broadcast_in_dim3A_13, %add3A_246 : vector<1024x128xf32>
    %slice3A_248 = vector.extract_strided_slice %dot_general3A_8 {offsets = [0, 3072], sizes = [1024, 128], strides = [1, 1]} : vector<1024x8192xf32> to vector<1024x128xf32>
    %sub3A_249 = arith.subf %add3A_247, %slice3A_248 : vector<1024x128xf32>
    %slice3A_250 = vector.extract_strided_slice %get3A_11 {offsets = [0, 3200], sizes = [1, 128], strides = [1, 1]} : vector<1x8192xf32> to vector<1x128xf32>
    %add3A_251 = vector.broadcast %slice3A_250 : vector<1x128xf32> to vector<1024x128xf32>
    %add3A_252 = arith.addf %broadcast_in_dim3A_13, %add3A_251 : vector<1024x128xf32>
    %slice3A_253 = vector.extract_strided_slice %dot_general3A_8 {offsets = [0, 3200], sizes = [1024, 128], strides = [1, 1]} : vector<1024x8192xf32> to vector<1024x128xf32>
    %sub3A_254 = arith.subf %add3A_252, %slice3A_253 : vector<1024x128xf32>
    %slice3A_255 = vector.extract_strided_slice %get3A_11 {offsets = [0, 3328], sizes = [1, 128], strides = [1, 1]} : vector<1x8192xf32> to vector<1x128xf32>
    %add3A_256 = vector.broadcast %slice3A_255 : vector<1x128xf32> to vector<1024x128xf32>
    %add3A_257 = arith.addf %broadcast_in_dim3A_13, %add3A_256 : vector<1024x128xf32>
    %slice3A_258 = vector.extract_strided_slice %dot_general3A_8 {offsets = [0, 3328], sizes = [1024, 128], strides = [1, 1]} : vector<1024x8192xf32> to vector<1024x128xf32>
    %sub3A_259 = arith.subf %add3A_257, %slice3A_258 : vector<1024x128xf32>
    %slice3A_260 = vector.extract_strided_slice %get3A_11 {offsets = [0, 3456], sizes = [1, 128], strides = [1, 1]} : vector<1x8192xf32> to vector<1x128xf32>
    %add3A_261 = vector.broadcast %slice3A_260 : vector<1x128xf32> to vector<1024x128xf32>
    %add3A_262 = arith.addf %broadcast_in_dim3A_13, %add3A_261 : vector<1024x128xf32>
    %slice3A_263 = vector.extract_strided_slice %dot_general3A_8 {offsets = [0, 3456], sizes = [1024, 128], strides = [1, 1]} : vector<1024x8192xf32> to vector<1024x128xf32>
    %sub3A_264 = arith.subf %add3A_262, %slice3A_263 : vector<1024x128xf32>
    %min3A_265 = arith.minimumf %sub3A_249, %sub3A_254 : vector<1024x128xf32>
    %lt3A_266 = arith.cmpf olt, %sub3A_254, %sub3A_249 : vector<1024x128xf32>
    %min3A_267 = arith.minimumf %sub3A_259, %sub3A_264 : vector<1024x128xf32>
    %lt3A_268 = arith.cmpf olt, %sub3A_264, %sub3A_259 : vector<1024x128xf32>
    %min3A_269 = arith.minimumf %min3A_265, %min3A_267 : vector<1024x128xf32>
    %lt3A_270 = arith.cmpf olt, %min3A_267, %min3A_265 : vector<1024x128xf32>
    %jit3A_271 = arith.constant 25 : i32
    %jit3A_272 = arith.constant 24 : i32
    %broadcast_in_dim3A_273 = vector.broadcast %jit3A_271 : i32 to vector<1024x128xi32>
    %broadcast_in_dim3A_274 = vector.broadcast %jit3A_272 : i32 to vector<1024x128xi32>
    %select_n3A_275 = arith.select %lt3A_266, %broadcast_in_dim3A_273, %broadcast_in_dim3A_274 : vector<1024x128xi1>, vector<1024x128xi32>
    %jit3A_276 = arith.constant 27 : i32
    %jit3A_277 = arith.constant 26 : i32
    %broadcast_in_dim3A_278 = vector.broadcast %jit3A_276 : i32 to vector<1024x128xi32>
    %broadcast_in_dim3A_279 = vector.broadcast %jit3A_277 : i32 to vector<1024x128xi32>
    %select_n3A_280 = arith.select %lt3A_268, %broadcast_in_dim3A_278, %broadcast_in_dim3A_279 : vector<1024x128xi1>, vector<1024x128xi32>
    %select_n3A_281 = arith.select %lt3A_270, %select_n3A_280, %select_n3A_275 : vector<1024x128xi1>, vector<1024x128xi32>
    %lt3A_282 = arith.cmpf olt, %min3A_269, %min3A_244 : vector<1024x128xf32>
    %select_n3A_283 = arith.select %lt3A_282, %select_n3A_281, %select_n3A_243 : vector<1024x128xi1>, vector<1024x128xi32>
    %min3A_284 = arith.minimumf %min3A_244, %min3A_269 : vector<1024x128xf32>
    %slice3A_285 = vector.extract_strided_slice %get3A_11 {offsets = [0, 3584], sizes = [1, 128], strides = [1, 1]} : vector<1x8192xf32> to vector<1x128xf32>
    %add3A_286 = vector.broadcast %slice3A_285 : vector<1x128xf32> to vector<1024x128xf32>
    %add3A_287 = arith.addf %broadcast_in_dim3A_13, %add3A_286 : vector<1024x128xf32>
    %slice3A_288 = vector.extract_strided_slice %dot_general3A_8 {offsets = [0, 3584], sizes = [1024, 128], strides = [1, 1]} : vector<1024x8192xf32> to vector<1024x128xf32>
    %sub3A_289 = arith.subf %add3A_287, %slice3A_288 : vector<1024x128xf32>
    %slice3A_290 = vector.extract_strided_slice %get3A_11 {offsets = [0, 3712], sizes = [1, 128], strides = [1, 1]} : vector<1x8192xf32> to vector<1x128xf32>
    %add3A_291 = vector.broadcast %slice3A_290 : vector<1x128xf32> to vector<1024x128xf32>
    %add3A_292 = arith.addf %broadcast_in_dim3A_13, %add3A_291 : vector<1024x128xf32>
    %slice3A_293 = vector.extract_strided_slice %dot_general3A_8 {offsets = [0, 3712], sizes = [1024, 128], strides = [1, 1]} : vector<1024x8192xf32> to vector<1024x128xf32>
    %sub3A_294 = arith.subf %add3A_292, %slice3A_293 : vector<1024x128xf32>
    %slice3A_295 = vector.extract_strided_slice %get3A_11 {offsets = [0, 3840], sizes = [1, 128], strides = [1, 1]} : vector<1x8192xf32> to vector<1x128xf32>
    %add3A_296 = vector.broadcast %slice3A_295 : vector<1x128xf32> to vector<1024x128xf32>
    %add3A_297 = arith.addf %broadcast_in_dim3A_13, %add3A_296 : vector<1024x128xf32>
    %slice3A_298 = vector.extract_strided_slice %dot_general3A_8 {offsets = [0, 3840], sizes = [1024, 128], strides = [1, 1]} : vector<1024x8192xf32> to vector<1024x128xf32>
    %sub3A_299 = arith.subf %add3A_297, %slice3A_298 : vector<1024x128xf32>
    %slice3A_300 = vector.extract_strided_slice %get3A_11 {offsets = [0, 3968], sizes = [1, 128], strides = [1, 1]} : vector<1x8192xf32> to vector<1x128xf32>
    %add3A_301 = vector.broadcast %slice3A_300 : vector<1x128xf32> to vector<1024x128xf32>
    %add3A_302 = arith.addf %broadcast_in_dim3A_13, %add3A_301 : vector<1024x128xf32>
    %slice3A_303 = vector.extract_strided_slice %dot_general3A_8 {offsets = [0, 3968], sizes = [1024, 128], strides = [1, 1]} : vector<1024x8192xf32> to vector<1024x128xf32>
    %sub3A_304 = arith.subf %add3A_302, %slice3A_303 : vector<1024x128xf32>
    %min3A_305 = arith.minimumf %sub3A_289, %sub3A_294 : vector<1024x128xf32>
    %lt3A_306 = arith.cmpf olt, %sub3A_294, %sub3A_289 : vector<1024x128xf32>
    %min3A_307 = arith.minimumf %sub3A_299, %sub3A_304 : vector<1024x128xf32>
    %lt3A_308 = arith.cmpf olt, %sub3A_304, %sub3A_299 : vector<1024x128xf32>
    %min3A_309 = arith.minimumf %min3A_305, %min3A_307 : vector<1024x128xf32>
    %lt3A_310 = arith.cmpf olt, %min3A_307, %min3A_305 : vector<1024x128xf32>
    %jit3A_311 = arith.constant 29 : i32
    %jit3A_312 = arith.constant 28 : i32
    %broadcast_in_dim3A_313 = vector.broadcast %jit3A_311 : i32 to vector<1024x128xi32>
    %broadcast_in_dim3A_314 = vector.broadcast %jit3A_312 : i32 to vector<1024x128xi32>
    %select_n3A_315 = arith.select %lt3A_306, %broadcast_in_dim3A_313, %broadcast_in_dim3A_314 : vector<1024x128xi1>, vector<1024x128xi32>
    %jit3A_316 = arith.constant 31 : i32
    %jit3A_317 = arith.constant 30 : i32
    %broadcast_in_dim3A_318 = vector.broadcast %jit3A_316 : i32 to vector<1024x128xi32>
    %broadcast_in_dim3A_319 = vector.broadcast %jit3A_317 : i32 to vector<1024x128xi32>
    %select_n3A_320 = arith.select %lt3A_308, %broadcast_in_dim3A_318, %broadcast_in_dim3A_319 : vector<1024x128xi1>, vector<1024x128xi32>
    %select_n3A_321 = arith.select %lt3A_310, %select_n3A_320, %select_n3A_315 : vector<1024x128xi1>, vector<1024x128xi32>
    %lt3A_322 = arith.cmpf olt, %min3A_309, %min3A_284 : vector<1024x128xf32>
    %select_n3A_323 = arith.select %lt3A_322, %select_n3A_321, %select_n3A_283 : vector<1024x128xi1>, vector<1024x128xi32>
    %min3A_324 = arith.minimumf %min3A_284, %min3A_309 : vector<1024x128xf32>
    %slice3A_325 = vector.extract_strided_slice %get3A_11 {offsets = [0, 4096], sizes = [1, 128], strides = [1, 1]} : vector<1x8192xf32> to vector<1x128xf32>
    %add3A_326 = vector.broadcast %slice3A_325 : vector<1x128xf32> to vector<1024x128xf32>
    %add3A_327 = arith.addf %broadcast_in_dim3A_13, %add3A_326 : vector<1024x128xf32>
    %slice3A_328 = vector.extract_strided_slice %dot_general3A_8 {offsets = [0, 4096], sizes = [1024, 128], strides = [1, 1]} : vector<1024x8192xf32> to vector<1024x128xf32>
    %sub3A_329 = arith.subf %add3A_327, %slice3A_328 : vector<1024x128xf32>
    %slice3A_330 = vector.extract_strided_slice %get3A_11 {offsets = [0, 4224], sizes = [1, 128], strides = [1, 1]} : vector<1x8192xf32> to vector<1x128xf32>
    %add3A_331 = vector.broadcast %slice3A_330 : vector<1x128xf32> to vector<1024x128xf32>
    %add3A_332 = arith.addf %broadcast_in_dim3A_13, %add3A_331 : vector<1024x128xf32>
    %slice3A_333 = vector.extract_strided_slice %dot_general3A_8 {offsets = [0, 4224], sizes = [1024, 128], strides = [1, 1]} : vector<1024x8192xf32> to vector<1024x128xf32>
    %sub3A_334 = arith.subf %add3A_332, %slice3A_333 : vector<1024x128xf32>
    %slice3A_335 = vector.extract_strided_slice %get3A_11 {offsets = [0, 4352], sizes = [1, 128], strides = [1, 1]} : vector<1x8192xf32> to vector<1x128xf32>
    %add3A_336 = vector.broadcast %slice3A_335 : vector<1x128xf32> to vector<1024x128xf32>
    %add3A_337 = arith.addf %broadcast_in_dim3A_13, %add3A_336 : vector<1024x128xf32>
    %slice3A_338 = vector.extract_strided_slice %dot_general3A_8 {offsets = [0, 4352], sizes = [1024, 128], strides = [1, 1]} : vector<1024x8192xf32> to vector<1024x128xf32>
    %sub3A_339 = arith.subf %add3A_337, %slice3A_338 : vector<1024x128xf32>
    %slice3A_340 = vector.extract_strided_slice %get3A_11 {offsets = [0, 4480], sizes = [1, 128], strides = [1, 1]} : vector<1x8192xf32> to vector<1x128xf32>
    %add3A_341 = vector.broadcast %slice3A_340 : vector<1x128xf32> to vector<1024x128xf32>
    %add3A_342 = arith.addf %broadcast_in_dim3A_13, %add3A_341 : vector<1024x128xf32>
    %slice3A_343 = vector.extract_strided_slice %dot_general3A_8 {offsets = [0, 4480], sizes = [1024, 128], strides = [1, 1]} : vector<1024x8192xf32> to vector<1024x128xf32>
    %sub3A_344 = arith.subf %add3A_342, %slice3A_343 : vector<1024x128xf32>
    %min3A_345 = arith.minimumf %sub3A_329, %sub3A_334 : vector<1024x128xf32>
    %lt3A_346 = arith.cmpf olt, %sub3A_334, %sub3A_329 : vector<1024x128xf32>
    %min3A_347 = arith.minimumf %sub3A_339, %sub3A_344 : vector<1024x128xf32>
    %lt3A_348 = arith.cmpf olt, %sub3A_344, %sub3A_339 : vector<1024x128xf32>
    %min3A_349 = arith.minimumf %min3A_345, %min3A_347 : vector<1024x128xf32>
    %lt3A_350 = arith.cmpf olt, %min3A_347, %min3A_345 : vector<1024x128xf32>
    %jit3A_351 = arith.constant 33 : i32
    %jit3A_352 = arith.constant 32 : i32
    %broadcast_in_dim3A_353 = vector.broadcast %jit3A_351 : i32 to vector<1024x128xi32>
    %broadcast_in_dim3A_354 = vector.broadcast %jit3A_352 : i32 to vector<1024x128xi32>
    %select_n3A_355 = arith.select %lt3A_346, %broadcast_in_dim3A_353, %broadcast_in_dim3A_354 : vector<1024x128xi1>, vector<1024x128xi32>
    %jit3A_356 = arith.constant 35 : i32
    %jit3A_357 = arith.constant 34 : i32
    %broadcast_in_dim3A_358 = vector.broadcast %jit3A_356 : i32 to vector<1024x128xi32>
    %broadcast_in_dim3A_359 = vector.broadcast %jit3A_357 : i32 to vector<1024x128xi32>
    %select_n3A_360 = arith.select %lt3A_348, %broadcast_in_dim3A_358, %broadcast_in_dim3A_359 : vector<1024x128xi1>, vector<1024x128xi32>
    %select_n3A_361 = arith.select %lt3A_350, %select_n3A_360, %select_n3A_355 : vector<1024x128xi1>, vector<1024x128xi32>
    %lt3A_362 = arith.cmpf olt, %min3A_349, %min3A_324 : vector<1024x128xf32>
    %select_n3A_363 = arith.select %lt3A_362, %select_n3A_361, %select_n3A_323 : vector<1024x128xi1>, vector<1024x128xi32>
    %min3A_364 = arith.minimumf %min3A_324, %min3A_349 : vector<1024x128xf32>
    %slice3A_365 = vector.extract_strided_slice %get3A_11 {offsets = [0, 4608], sizes = [1, 128], strides = [1, 1]} : vector<1x8192xf32> to vector<1x128xf32>
    %add3A_366 = vector.broadcast %slice3A_365 : vector<1x128xf32> to vector<1024x128xf32>
    %add3A_367 = arith.addf %broadcast_in_dim3A_13, %add3A_366 : vector<1024x128xf32>
    %slice3A_368 = vector.extract_strided_slice %dot_general3A_8 {offsets = [0, 4608], sizes = [1024, 128], strides = [1, 1]} : vector<1024x8192xf32> to vector<1024x128xf32>
    %sub3A_369 = arith.subf %add3A_367, %slice3A_368 : vector<1024x128xf32>
    %slice3A_370 = vector.extract_strided_slice %get3A_11 {offsets = [0, 4736], sizes = [1, 128], strides = [1, 1]} : vector<1x8192xf32> to vector<1x128xf32>
    %add3A_371 = vector.broadcast %slice3A_370 : vector<1x128xf32> to vector<1024x128xf32>
    %add3A_372 = arith.addf %broadcast_in_dim3A_13, %add3A_371 : vector<1024x128xf32>
    %slice3A_373 = vector.extract_strided_slice %dot_general3A_8 {offsets = [0, 4736], sizes = [1024, 128], strides = [1, 1]} : vector<1024x8192xf32> to vector<1024x128xf32>
    %sub3A_374 = arith.subf %add3A_372, %slice3A_373 : vector<1024x128xf32>
    %slice3A_375 = vector.extract_strided_slice %get3A_11 {offsets = [0, 4864], sizes = [1, 128], strides = [1, 1]} : vector<1x8192xf32> to vector<1x128xf32>
    %add3A_376 = vector.broadcast %slice3A_375 : vector<1x128xf32> to vector<1024x128xf32>
    %add3A_377 = arith.addf %broadcast_in_dim3A_13, %add3A_376 : vector<1024x128xf32>
    %slice3A_378 = vector.extract_strided_slice %dot_general3A_8 {offsets = [0, 4864], sizes = [1024, 128], strides = [1, 1]} : vector<1024x8192xf32> to vector<1024x128xf32>
    %sub3A_379 = arith.subf %add3A_377, %slice3A_378 : vector<1024x128xf32>
    %slice3A_380 = vector.extract_strided_slice %get3A_11 {offsets = [0, 4992], sizes = [1, 128], strides = [1, 1]} : vector<1x8192xf32> to vector<1x128xf32>
    %add3A_381 = vector.broadcast %slice3A_380 : vector<1x128xf32> to vector<1024x128xf32>
    %add3A_382 = arith.addf %broadcast_in_dim3A_13, %add3A_381 : vector<1024x128xf32>
    %slice3A_383 = vector.extract_strided_slice %dot_general3A_8 {offsets = [0, 4992], sizes = [1024, 128], strides = [1, 1]} : vector<1024x8192xf32> to vector<1024x128xf32>
    %sub3A_384 = arith.subf %add3A_382, %slice3A_383 : vector<1024x128xf32>
    %min3A_385 = arith.minimumf %sub3A_369, %sub3A_374 : vector<1024x128xf32>
    %lt3A_386 = arith.cmpf olt, %sub3A_374, %sub3A_369 : vector<1024x128xf32>
    %min3A_387 = arith.minimumf %sub3A_379, %sub3A_384 : vector<1024x128xf32>
    %lt3A_388 = arith.cmpf olt, %sub3A_384, %sub3A_379 : vector<1024x128xf32>
    %min3A_389 = arith.minimumf %min3A_385, %min3A_387 : vector<1024x128xf32>
    %lt3A_390 = arith.cmpf olt, %min3A_387, %min3A_385 : vector<1024x128xf32>
    %jit3A_391 = arith.constant 37 : i32
    %jit3A_392 = arith.constant 36 : i32
    %broadcast_in_dim3A_393 = vector.broadcast %jit3A_391 : i32 to vector<1024x128xi32>
    %broadcast_in_dim3A_394 = vector.broadcast %jit3A_392 : i32 to vector<1024x128xi32>
    %select_n3A_395 = arith.select %lt3A_386, %broadcast_in_dim3A_393, %broadcast_in_dim3A_394 : vector<1024x128xi1>, vector<1024x128xi32>
    %jit3A_396 = arith.constant 39 : i32
    %jit3A_397 = arith.constant 38 : i32
    %broadcast_in_dim3A_398 = vector.broadcast %jit3A_396 : i32 to vector<1024x128xi32>
    %broadcast_in_dim3A_399 = vector.broadcast %jit3A_397 : i32 to vector<1024x128xi32>
    %select_n3A_400 = arith.select %lt3A_388, %broadcast_in_dim3A_398, %broadcast_in_dim3A_399 : vector<1024x128xi1>, vector<1024x128xi32>
    %select_n3A_401 = arith.select %lt3A_390, %select_n3A_400, %select_n3A_395 : vector<1024x128xi1>, vector<1024x128xi32>
    %lt3A_402 = arith.cmpf olt, %min3A_389, %min3A_364 : vector<1024x128xf32>
    %select_n3A_403 = arith.select %lt3A_402, %select_n3A_401, %select_n3A_363 : vector<1024x128xi1>, vector<1024x128xi32>
    %min3A_404 = arith.minimumf %min3A_364, %min3A_389 : vector<1024x128xf32>
    %slice3A_405 = vector.extract_strided_slice %get3A_11 {offsets = [0, 5120], sizes = [1, 128], strides = [1, 1]} : vector<1x8192xf32> to vector<1x128xf32>
    %add3A_406 = vector.broadcast %slice3A_405 : vector<1x128xf32> to vector<1024x128xf32>
    %add3A_407 = arith.addf %broadcast_in_dim3A_13, %add3A_406 : vector<1024x128xf32>
    %slice3A_408 = vector.extract_strided_slice %dot_general3A_8 {offsets = [0, 5120], sizes = [1024, 128], strides = [1, 1]} : vector<1024x8192xf32> to vector<1024x128xf32>
    %sub3A_409 = arith.subf %add3A_407, %slice3A_408 : vector<1024x128xf32>
    %slice3A_410 = vector.extract_strided_slice %get3A_11 {offsets = [0, 5248], sizes = [1, 128], strides = [1, 1]} : vector<1x8192xf32> to vector<1x128xf32>
    %add3A_411 = vector.broadcast %slice3A_410 : vector<1x128xf32> to vector<1024x128xf32>
    %add3A_412 = arith.addf %broadcast_in_dim3A_13, %add3A_411 : vector<1024x128xf32>
    %slice3A_413 = vector.extract_strided_slice %dot_general3A_8 {offsets = [0, 5248], sizes = [1024, 128], strides = [1, 1]} : vector<1024x8192xf32> to vector<1024x128xf32>
    %sub3A_414 = arith.subf %add3A_412, %slice3A_413 : vector<1024x128xf32>
    %slice3A_415 = vector.extract_strided_slice %get3A_11 {offsets = [0, 5376], sizes = [1, 128], strides = [1, 1]} : vector<1x8192xf32> to vector<1x128xf32>
    %add3A_416 = vector.broadcast %slice3A_415 : vector<1x128xf32> to vector<1024x128xf32>
    %add3A_417 = arith.addf %broadcast_in_dim3A_13, %add3A_416 : vector<1024x128xf32>
    %slice3A_418 = vector.extract_strided_slice %dot_general3A_8 {offsets = [0, 5376], sizes = [1024, 128], strides = [1, 1]} : vector<1024x8192xf32> to vector<1024x128xf32>
    %sub3A_419 = arith.subf %add3A_417, %slice3A_418 : vector<1024x128xf32>
    %slice3A_420 = vector.extract_strided_slice %get3A_11 {offsets = [0, 5504], sizes = [1, 128], strides = [1, 1]} : vector<1x8192xf32> to vector<1x128xf32>
    %add3A_421 = vector.broadcast %slice3A_420 : vector<1x128xf32> to vector<1024x128xf32>
    %add3A_422 = arith.addf %broadcast_in_dim3A_13, %add3A_421 : vector<1024x128xf32>
    %slice3A_423 = vector.extract_strided_slice %dot_general3A_8 {offsets = [0, 5504], sizes = [1024, 128], strides = [1, 1]} : vector<1024x8192xf32> to vector<1024x128xf32>
    %sub3A_424 = arith.subf %add3A_422, %slice3A_423 : vector<1024x128xf32>
    %min3A_425 = arith.minimumf %sub3A_409, %sub3A_414 : vector<1024x128xf32>
    %lt3A_426 = arith.cmpf olt, %sub3A_414, %sub3A_409 : vector<1024x128xf32>
    %min3A_427 = arith.minimumf %sub3A_419, %sub3A_424 : vector<1024x128xf32>
    %lt3A_428 = arith.cmpf olt, %sub3A_424, %sub3A_419 : vector<1024x128xf32>
    %min3A_429 = arith.minimumf %min3A_425, %min3A_427 : vector<1024x128xf32>
    %lt3A_430 = arith.cmpf olt, %min3A_427, %min3A_425 : vector<1024x128xf32>
    %jit3A_431 = arith.constant 41 : i32
    %jit3A_432 = arith.constant 40 : i32
    %broadcast_in_dim3A_433 = vector.broadcast %jit3A_431 : i32 to vector<1024x128xi32>
    %broadcast_in_dim3A_434 = vector.broadcast %jit3A_432 : i32 to vector<1024x128xi32>
    %select_n3A_435 = arith.select %lt3A_426, %broadcast_in_dim3A_433, %broadcast_in_dim3A_434 : vector<1024x128xi1>, vector<1024x128xi32>
    %jit3A_436 = arith.constant 43 : i32
    %jit3A_437 = arith.constant 42 : i32
    %broadcast_in_dim3A_438 = vector.broadcast %jit3A_436 : i32 to vector<1024x128xi32>
    %broadcast_in_dim3A_439 = vector.broadcast %jit3A_437 : i32 to vector<1024x128xi32>
    %select_n3A_440 = arith.select %lt3A_428, %broadcast_in_dim3A_438, %broadcast_in_dim3A_439 : vector<1024x128xi1>, vector<1024x128xi32>
    %select_n3A_441 = arith.select %lt3A_430, %select_n3A_440, %select_n3A_435 : vector<1024x128xi1>, vector<1024x128xi32>
    %lt3A_442 = arith.cmpf olt, %min3A_429, %min3A_404 : vector<1024x128xf32>
    %select_n3A_443 = arith.select %lt3A_442, %select_n3A_441, %select_n3A_403 : vector<1024x128xi1>, vector<1024x128xi32>
    %min3A_444 = arith.minimumf %min3A_404, %min3A_429 : vector<1024x128xf32>
    %slice3A_445 = vector.extract_strided_slice %get3A_11 {offsets = [0, 5632], sizes = [1, 128], strides = [1, 1]} : vector<1x8192xf32> to vector<1x128xf32>
    %add3A_446 = vector.broadcast %slice3A_445 : vector<1x128xf32> to vector<1024x128xf32>
    %add3A_447 = arith.addf %broadcast_in_dim3A_13, %add3A_446 : vector<1024x128xf32>
    %slice3A_448 = vector.extract_strided_slice %dot_general3A_8 {offsets = [0, 5632], sizes = [1024, 128], strides = [1, 1]} : vector<1024x8192xf32> to vector<1024x128xf32>
    %sub3A_449 = arith.subf %add3A_447, %slice3A_448 : vector<1024x128xf32>
    %slice3A_450 = vector.extract_strided_slice %get3A_11 {offsets = [0, 5760], sizes = [1, 128], strides = [1, 1]} : vector<1x8192xf32> to vector<1x128xf32>
    %add3A_451 = vector.broadcast %slice3A_450 : vector<1x128xf32> to vector<1024x128xf32>
    %add3A_452 = arith.addf %broadcast_in_dim3A_13, %add3A_451 : vector<1024x128xf32>
    %slice3A_453 = vector.extract_strided_slice %dot_general3A_8 {offsets = [0, 5760], sizes = [1024, 128], strides = [1, 1]} : vector<1024x8192xf32> to vector<1024x128xf32>
    %sub3A_454 = arith.subf %add3A_452, %slice3A_453 : vector<1024x128xf32>
    %slice3A_455 = vector.extract_strided_slice %get3A_11 {offsets = [0, 5888], sizes = [1, 128], strides = [1, 1]} : vector<1x8192xf32> to vector<1x128xf32>
    %add3A_456 = vector.broadcast %slice3A_455 : vector<1x128xf32> to vector<1024x128xf32>
    %add3A_457 = arith.addf %broadcast_in_dim3A_13, %add3A_456 : vector<1024x128xf32>
    %slice3A_458 = vector.extract_strided_slice %dot_general3A_8 {offsets = [0, 5888], sizes = [1024, 128], strides = [1, 1]} : vector<1024x8192xf32> to vector<1024x128xf32>
    %sub3A_459 = arith.subf %add3A_457, %slice3A_458 : vector<1024x128xf32>
    %slice3A_460 = vector.extract_strided_slice %get3A_11 {offsets = [0, 6016], sizes = [1, 128], strides = [1, 1]} : vector<1x8192xf32> to vector<1x128xf32>
    %add3A_461 = vector.broadcast %slice3A_460 : vector<1x128xf32> to vector<1024x128xf32>
    %add3A_462 = arith.addf %broadcast_in_dim3A_13, %add3A_461 : vector<1024x128xf32>
    %slice3A_463 = vector.extract_strided_slice %dot_general3A_8 {offsets = [0, 6016], sizes = [1024, 128], strides = [1, 1]} : vector<1024x8192xf32> to vector<1024x128xf32>
    %sub3A_464 = arith.subf %add3A_462, %slice3A_463 : vector<1024x128xf32>
    %min3A_465 = arith.minimumf %sub3A_449, %sub3A_454 : vector<1024x128xf32>
    %lt3A_466 = arith.cmpf olt, %sub3A_454, %sub3A_449 : vector<1024x128xf32>
    %min3A_467 = arith.minimumf %sub3A_459, %sub3A_464 : vector<1024x128xf32>
    %lt3A_468 = arith.cmpf olt, %sub3A_464, %sub3A_459 : vector<1024x128xf32>
    %min3A_469 = arith.minimumf %min3A_465, %min3A_467 : vector<1024x128xf32>
    %lt3A_470 = arith.cmpf olt, %min3A_467, %min3A_465 : vector<1024x128xf32>
    %jit3A_471 = arith.constant 45 : i32
    %jit3A_472 = arith.constant 44 : i32
    %broadcast_in_dim3A_473 = vector.broadcast %jit3A_471 : i32 to vector<1024x128xi32>
    %broadcast_in_dim3A_474 = vector.broadcast %jit3A_472 : i32 to vector<1024x128xi32>
    %select_n3A_475 = arith.select %lt3A_466, %broadcast_in_dim3A_473, %broadcast_in_dim3A_474 : vector<1024x128xi1>, vector<1024x128xi32>
    %jit3A_476 = arith.constant 47 : i32
    %jit3A_477 = arith.constant 46 : i32
    %broadcast_in_dim3A_478 = vector.broadcast %jit3A_476 : i32 to vector<1024x128xi32>
    %broadcast_in_dim3A_479 = vector.broadcast %jit3A_477 : i32 to vector<1024x128xi32>
    %select_n3A_480 = arith.select %lt3A_468, %broadcast_in_dim3A_478, %broadcast_in_dim3A_479 : vector<1024x128xi1>, vector<1024x128xi32>
    %select_n3A_481 = arith.select %lt3A_470, %select_n3A_480, %select_n3A_475 : vector<1024x128xi1>, vector<1024x128xi32>
    %lt3A_482 = arith.cmpf olt, %min3A_469, %min3A_444 : vector<1024x128xf32>
    %select_n3A_483 = arith.select %lt3A_482, %select_n3A_481, %select_n3A_443 : vector<1024x128xi1>, vector<1024x128xi32>
    %min3A_484 = arith.minimumf %min3A_444, %min3A_469 : vector<1024x128xf32>
    %slice3A_485 = vector.extract_strided_slice %get3A_11 {offsets = [0, 6144], sizes = [1, 128], strides = [1, 1]} : vector<1x8192xf32> to vector<1x128xf32>
    %add3A_486 = vector.broadcast %slice3A_485 : vector<1x128xf32> to vector<1024x128xf32>
    %add3A_487 = arith.addf %broadcast_in_dim3A_13, %add3A_486 : vector<1024x128xf32>
    %slice3A_488 = vector.extract_strided_slice %dot_general3A_8 {offsets = [0, 6144], sizes = [1024, 128], strides = [1, 1]} : vector<1024x8192xf32> to vector<1024x128xf32>
    %sub3A_489 = arith.subf %add3A_487, %slice3A_488 : vector<1024x128xf32>
    %slice3A_490 = vector.extract_strided_slice %get3A_11 {offsets = [0, 6272], sizes = [1, 128], strides = [1, 1]} : vector<1x8192xf32> to vector<1x128xf32>
    %add3A_491 = vector.broadcast %slice3A_490 : vector<1x128xf32> to vector<1024x128xf32>
    %add3A_492 = arith.addf %broadcast_in_dim3A_13, %add3A_491 : vector<1024x128xf32>
    %slice3A_493 = vector.extract_strided_slice %dot_general3A_8 {offsets = [0, 6272], sizes = [1024, 128], strides = [1, 1]} : vector<1024x8192xf32> to vector<1024x128xf32>
    %sub3A_494 = arith.subf %add3A_492, %slice3A_493 : vector<1024x128xf32>
    %slice3A_495 = vector.extract_strided_slice %get3A_11 {offsets = [0, 6400], sizes = [1, 128], strides = [1, 1]} : vector<1x8192xf32> to vector<1x128xf32>
    %add3A_496 = vector.broadcast %slice3A_495 : vector<1x128xf32> to vector<1024x128xf32>
    %add3A_497 = arith.addf %broadcast_in_dim3A_13, %add3A_496 : vector<1024x128xf32>
    %slice3A_498 = vector.extract_strided_slice %dot_general3A_8 {offsets = [0, 6400], sizes = [1024, 128], strides = [1, 1]} : vector<1024x8192xf32> to vector<1024x128xf32>
    %sub3A_499 = arith.subf %add3A_497, %slice3A_498 : vector<1024x128xf32>
    %slice3A_500 = vector.extract_strided_slice %get3A_11 {offsets = [0, 6528], sizes = [1, 128], strides = [1, 1]} : vector<1x8192xf32> to vector<1x128xf32>
    %add3A_501 = vector.broadcast %slice3A_500 : vector<1x128xf32> to vector<1024x128xf32>
    %add3A_502 = arith.addf %broadcast_in_dim3A_13, %add3A_501 : vector<1024x128xf32>
    %slice3A_503 = vector.extract_strided_slice %dot_general3A_8 {offsets = [0, 6528], sizes = [1024, 128], strides = [1, 1]} : vector<1024x8192xf32> to vector<1024x128xf32>
    %sub3A_504 = arith.subf %add3A_502, %slice3A_503 : vector<1024x128xf32>
    %min3A_505 = arith.minimumf %sub3A_489, %sub3A_494 : vector<1024x128xf32>
    %lt3A_506 = arith.cmpf olt, %sub3A_494, %sub3A_489 : vector<1024x128xf32>
    %min3A_507 = arith.minimumf %sub3A_499, %sub3A_504 : vector<1024x128xf32>
    %lt3A_508 = arith.cmpf olt, %sub3A_504, %sub3A_499 : vector<1024x128xf32>
    %min3A_509 = arith.minimumf %min3A_505, %min3A_507 : vector<1024x128xf32>
    %lt3A_510 = arith.cmpf olt, %min3A_507, %min3A_505 : vector<1024x128xf32>
    %jit3A_511 = arith.constant 49 : i32
    %jit3A_512 = arith.constant 48 : i32
    %broadcast_in_dim3A_513 = vector.broadcast %jit3A_511 : i32 to vector<1024x128xi32>
    %broadcast_in_dim3A_514 = vector.broadcast %jit3A_512 : i32 to vector<1024x128xi32>
    %select_n3A_515 = arith.select %lt3A_506, %broadcast_in_dim3A_513, %broadcast_in_dim3A_514 : vector<1024x128xi1>, vector<1024x128xi32>
    %jit3A_516 = arith.constant 51 : i32
    %jit3A_517 = arith.constant 50 : i32
    %broadcast_in_dim3A_518 = vector.broadcast %jit3A_516 : i32 to vector<1024x128xi32>
    %broadcast_in_dim3A_519 = vector.broadcast %jit3A_517 : i32 to vector<1024x128xi32>
    %select_n3A_520 = arith.select %lt3A_508, %broadcast_in_dim3A_518, %broadcast_in_dim3A_519 : vector<1024x128xi1>, vector<1024x128xi32>
    %select_n3A_521 = arith.select %lt3A_510, %select_n3A_520, %select_n3A_515 : vector<1024x128xi1>, vector<1024x128xi32>
    %lt3A_522 = arith.cmpf olt, %min3A_509, %min3A_484 : vector<1024x128xf32>
    %select_n3A_523 = arith.select %lt3A_522, %select_n3A_521, %select_n3A_483 : vector<1024x128xi1>, vector<1024x128xi32>
    %min3A_524 = arith.minimumf %min3A_484, %min3A_509 : vector<1024x128xf32>
    %slice3A_525 = vector.extract_strided_slice %get3A_11 {offsets = [0, 6656], sizes = [1, 128], strides = [1, 1]} : vector<1x8192xf32> to vector<1x128xf32>
    %add3A_526 = vector.broadcast %slice3A_525 : vector<1x128xf32> to vector<1024x128xf32>
    %add3A_527 = arith.addf %broadcast_in_dim3A_13, %add3A_526 : vector<1024x128xf32>
    %slice3A_528 = vector.extract_strided_slice %dot_general3A_8 {offsets = [0, 6656], sizes = [1024, 128], strides = [1, 1]} : vector<1024x8192xf32> to vector<1024x128xf32>
    %sub3A_529 = arith.subf %add3A_527, %slice3A_528 : vector<1024x128xf32>
    %slice3A_530 = vector.extract_strided_slice %get3A_11 {offsets = [0, 6784], sizes = [1, 128], strides = [1, 1]} : vector<1x8192xf32> to vector<1x128xf32>
    %add3A_531 = vector.broadcast %slice3A_530 : vector<1x128xf32> to vector<1024x128xf32>
    %add3A_532 = arith.addf %broadcast_in_dim3A_13, %add3A_531 : vector<1024x128xf32>
    %slice3A_533 = vector.extract_strided_slice %dot_general3A_8 {offsets = [0, 6784], sizes = [1024, 128], strides = [1, 1]} : vector<1024x8192xf32> to vector<1024x128xf32>
    %sub3A_534 = arith.subf %add3A_532, %slice3A_533 : vector<1024x128xf32>
    %slice3A_535 = vector.extract_strided_slice %get3A_11 {offsets = [0, 6912], sizes = [1, 128], strides = [1, 1]} : vector<1x8192xf32> to vector<1x128xf32>
    %add3A_536 = vector.broadcast %slice3A_535 : vector<1x128xf32> to vector<1024x128xf32>
    %add3A_537 = arith.addf %broadcast_in_dim3A_13, %add3A_536 : vector<1024x128xf32>
    %slice3A_538 = vector.extract_strided_slice %dot_general3A_8 {offsets = [0, 6912], sizes = [1024, 128], strides = [1, 1]} : vector<1024x8192xf32> to vector<1024x128xf32>
    %sub3A_539 = arith.subf %add3A_537, %slice3A_538 : vector<1024x128xf32>
    %slice3A_540 = vector.extract_strided_slice %get3A_11 {offsets = [0, 7040], sizes = [1, 128], strides = [1, 1]} : vector<1x8192xf32> to vector<1x128xf32>
    %add3A_541 = vector.broadcast %slice3A_540 : vector<1x128xf32> to vector<1024x128xf32>
    %add3A_542 = arith.addf %broadcast_in_dim3A_13, %add3A_541 : vector<1024x128xf32>
    %slice3A_543 = vector.extract_strided_slice %dot_general3A_8 {offsets = [0, 7040], sizes = [1024, 128], strides = [1, 1]} : vector<1024x8192xf32> to vector<1024x128xf32>
    %sub3A_544 = arith.subf %add3A_542, %slice3A_543 : vector<1024x128xf32>
    %min3A_545 = arith.minimumf %sub3A_529, %sub3A_534 : vector<1024x128xf32>
    %lt3A_546 = arith.cmpf olt, %sub3A_534, %sub3A_529 : vector<1024x128xf32>
    %min3A_547 = arith.minimumf %sub3A_539, %sub3A_544 : vector<1024x128xf32>
    %lt3A_548 = arith.cmpf olt, %sub3A_544, %sub3A_539 : vector<1024x128xf32>
    %min3A_549 = arith.minimumf %min3A_545, %min3A_547 : vector<1024x128xf32>
    %lt3A_550 = arith.cmpf olt, %min3A_547, %min3A_545 : vector<1024x128xf32>
    %jit3A_551 = arith.constant 53 : i32
    %jit3A_552 = arith.constant 52 : i32
    %broadcast_in_dim3A_553 = vector.broadcast %jit3A_551 : i32 to vector<1024x128xi32>
    %broadcast_in_dim3A_554 = vector.broadcast %jit3A_552 : i32 to vector<1024x128xi32>
    %select_n3A_555 = arith.select %lt3A_546, %broadcast_in_dim3A_553, %broadcast_in_dim3A_554 : vector<1024x128xi1>, vector<1024x128xi32>
    %jit3A_556 = arith.constant 55 : i32
    %jit3A_557 = arith.constant 54 : i32
    %broadcast_in_dim3A_558 = vector.broadcast %jit3A_556 : i32 to vector<1024x128xi32>
    %broadcast_in_dim3A_559 = vector.broadcast %jit3A_557 : i32 to vector<1024x128xi32>
    %select_n3A_560 = arith.select %lt3A_548, %broadcast_in_dim3A_558, %broadcast_in_dim3A_559 : vector<1024x128xi1>, vector<1024x128xi32>
    %select_n3A_561 = arith.select %lt3A_550, %select_n3A_560, %select_n3A_555 : vector<1024x128xi1>, vector<1024x128xi32>
    %lt3A_562 = arith.cmpf olt, %min3A_549, %min3A_524 : vector<1024x128xf32>
    %select_n3A_563 = arith.select %lt3A_562, %select_n3A_561, %select_n3A_523 : vector<1024x128xi1>, vector<1024x128xi32>
    %min3A_564 = arith.minimumf %min3A_524, %min3A_549 : vector<1024x128xf32>
    %slice3A_565 = vector.extract_strided_slice %get3A_11 {offsets = [0, 7168], sizes = [1, 128], strides = [1, 1]} : vector<1x8192xf32> to vector<1x128xf32>
    %add3A_566 = vector.broadcast %slice3A_565 : vector<1x128xf32> to vector<1024x128xf32>
    %add3A_567 = arith.addf %broadcast_in_dim3A_13, %add3A_566 : vector<1024x128xf32>
    %slice3A_568 = vector.extract_strided_slice %dot_general3A_8 {offsets = [0, 7168], sizes = [1024, 128], strides = [1, 1]} : vector<1024x8192xf32> to vector<1024x128xf32>
    %sub3A_569 = arith.subf %add3A_567, %slice3A_568 : vector<1024x128xf32>
    %slice3A_570 = vector.extract_strided_slice %get3A_11 {offsets = [0, 7296], sizes = [1, 128], strides = [1, 1]} : vector<1x8192xf32> to vector<1x128xf32>
    %add3A_571 = vector.broadcast %slice3A_570 : vector<1x128xf32> to vector<1024x128xf32>
    %add3A_572 = arith.addf %broadcast_in_dim3A_13, %add3A_571 : vector<1024x128xf32>
    %slice3A_573 = vector.extract_strided_slice %dot_general3A_8 {offsets = [0, 7296], sizes = [1024, 128], strides = [1, 1]} : vector<1024x8192xf32> to vector<1024x128xf32>
    %sub3A_574 = arith.subf %add3A_572, %slice3A_573 : vector<1024x128xf32>
    %slice3A_575 = vector.extract_strided_slice %get3A_11 {offsets = [0, 7424], sizes = [1, 128], strides = [1, 1]} : vector<1x8192xf32> to vector<1x128xf32>
    %add3A_576 = vector.broadcast %slice3A_575 : vector<1x128xf32> to vector<1024x128xf32>
    %add3A_577 = arith.addf %broadcast_in_dim3A_13, %add3A_576 : vector<1024x128xf32>
    %slice3A_578 = vector.extract_strided_slice %dot_general3A_8 {offsets = [0, 7424], sizes = [1024, 128], strides = [1, 1]} : vector<1024x8192xf32> to vector<1024x128xf32>
    %sub3A_579 = arith.subf %add3A_577, %slice3A_578 : vector<1024x128xf32>
    %slice3A_580 = vector.extract_strided_slice %get3A_11 {offsets = [0, 7552], sizes = [1, 128], strides = [1, 1]} : vector<1x8192xf32> to vector<1x128xf32>
    %add3A_581 = vector.broadcast %slice3A_580 : vector<1x128xf32> to vector<1024x128xf32>
    %add3A_582 = arith.addf %broadcast_in_dim3A_13, %add3A_581 : vector<1024x128xf32>
    %slice3A_583 = vector.extract_strided_slice %dot_general3A_8 {offsets = [0, 7552], sizes = [1024, 128], strides = [1, 1]} : vector<1024x8192xf32> to vector<1024x128xf32>
    %sub3A_584 = arith.subf %add3A_582, %slice3A_583 : vector<1024x128xf32>
    %min3A_585 = arith.minimumf %sub3A_569, %sub3A_574 : vector<1024x128xf32>
    %lt3A_586 = arith.cmpf olt, %sub3A_574, %sub3A_569 : vector<1024x128xf32>
    %min3A_587 = arith.minimumf %sub3A_579, %sub3A_584 : vector<1024x128xf32>
    %lt3A_588 = arith.cmpf olt, %sub3A_584, %sub3A_579 : vector<1024x128xf32>
    %min3A_589 = arith.minimumf %min3A_585, %min3A_587 : vector<1024x128xf32>
    %lt3A_590 = arith.cmpf olt, %min3A_587, %min3A_585 : vector<1024x128xf32>
    %jit3A_591 = arith.constant 57 : i32
    %jit3A_592 = arith.constant 56 : i32
    %broadcast_in_dim3A_593 = vector.broadcast %jit3A_591 : i32 to vector<1024x128xi32>
    %broadcast_in_dim3A_594 = vector.broadcast %jit3A_592 : i32 to vector<1024x128xi32>
    %select_n3A_595 = arith.select %lt3A_586, %broadcast_in_dim3A_593, %broadcast_in_dim3A_594 : vector<1024x128xi1>, vector<1024x128xi32>
    %jit3A_596 = arith.constant 59 : i32
    %jit3A_597 = arith.constant 58 : i32
    %broadcast_in_dim3A_598 = vector.broadcast %jit3A_596 : i32 to vector<1024x128xi32>
    %broadcast_in_dim3A_599 = vector.broadcast %jit3A_597 : i32 to vector<1024x128xi32>
    %select_n3A_600 = arith.select %lt3A_588, %broadcast_in_dim3A_598, %broadcast_in_dim3A_599 : vector<1024x128xi1>, vector<1024x128xi32>
    %select_n3A_601 = arith.select %lt3A_590, %select_n3A_600, %select_n3A_595 : vector<1024x128xi1>, vector<1024x128xi32>
    %lt3A_602 = arith.cmpf olt, %min3A_589, %min3A_564 : vector<1024x128xf32>
    %select_n3A_603 = arith.select %lt3A_602, %select_n3A_601, %select_n3A_563 : vector<1024x128xi1>, vector<1024x128xi32>
    %min3A_604 = arith.minimumf %min3A_564, %min3A_589 : vector<1024x128xf32>
    %slice3A_605 = vector.extract_strided_slice %get3A_11 {offsets = [0, 7680], sizes = [1, 128], strides = [1, 1]} : vector<1x8192xf32> to vector<1x128xf32>
    %add3A_606 = vector.broadcast %slice3A_605 : vector<1x128xf32> to vector<1024x128xf32>
    %add3A_607 = arith.addf %broadcast_in_dim3A_13, %add3A_606 : vector<1024x128xf32>
    %slice3A_608 = vector.extract_strided_slice %dot_general3A_8 {offsets = [0, 7680], sizes = [1024, 128], strides = [1, 1]} : vector<1024x8192xf32> to vector<1024x128xf32>
    %sub3A_609 = arith.subf %add3A_607, %slice3A_608 : vector<1024x128xf32>
    %slice3A_610 = vector.extract_strided_slice %get3A_11 {offsets = [0, 7808], sizes = [1, 128], strides = [1, 1]} : vector<1x8192xf32> to vector<1x128xf32>
    %add3A_611 = vector.broadcast %slice3A_610 : vector<1x128xf32> to vector<1024x128xf32>
    %add3A_612 = arith.addf %broadcast_in_dim3A_13, %add3A_611 : vector<1024x128xf32>
    %slice3A_613 = vector.extract_strided_slice %dot_general3A_8 {offsets = [0, 7808], sizes = [1024, 128], strides = [1, 1]} : vector<1024x8192xf32> to vector<1024x128xf32>
    %sub3A_614 = arith.subf %add3A_612, %slice3A_613 : vector<1024x128xf32>
    %slice3A_615 = vector.extract_strided_slice %get3A_11 {offsets = [0, 7936], sizes = [1, 128], strides = [1, 1]} : vector<1x8192xf32> to vector<1x128xf32>
    %add3A_616 = vector.broadcast %slice3A_615 : vector<1x128xf32> to vector<1024x128xf32>
    %add3A_617 = arith.addf %broadcast_in_dim3A_13, %add3A_616 : vector<1024x128xf32>
    %slice3A_618 = vector.extract_strided_slice %dot_general3A_8 {offsets = [0, 7936], sizes = [1024, 128], strides = [1, 1]} : vector<1024x8192xf32> to vector<1024x128xf32>
    %sub3A_619 = arith.subf %add3A_617, %slice3A_618 : vector<1024x128xf32>
    %slice3A_620 = vector.extract_strided_slice %get3A_11 {offsets = [0, 8064], sizes = [1, 128], strides = [1, 1]} : vector<1x8192xf32> to vector<1x128xf32>
    %add3A_621 = vector.broadcast %slice3A_620 : vector<1x128xf32> to vector<1024x128xf32>
    %add3A_622 = arith.addf %broadcast_in_dim3A_13, %add3A_621 : vector<1024x128xf32>
    %slice3A_623 = vector.extract_strided_slice %dot_general3A_8 {offsets = [0, 8064], sizes = [1024, 128], strides = [1, 1]} : vector<1024x8192xf32> to vector<1024x128xf32>
    %sub3A_624 = arith.subf %add3A_622, %slice3A_623 : vector<1024x128xf32>
    %min3A_625 = arith.minimumf %sub3A_609, %sub3A_614 : vector<1024x128xf32>
    %lt3A_626 = arith.cmpf olt, %sub3A_614, %sub3A_609 : vector<1024x128xf32>
    %min3A_627 = arith.minimumf %sub3A_619, %sub3A_624 : vector<1024x128xf32>
    %lt3A_628 = arith.cmpf olt, %sub3A_624, %sub3A_619 : vector<1024x128xf32>
    %min3A_629 = arith.minimumf %min3A_625, %min3A_627 : vector<1024x128xf32>
    %lt3A_630 = arith.cmpf olt, %min3A_627, %min3A_625 : vector<1024x128xf32>
    %jit3A_631 = arith.constant 61 : i32
    %jit3A_632 = arith.constant 60 : i32
    %broadcast_in_dim3A_633 = vector.broadcast %jit3A_631 : i32 to vector<1024x128xi32>
    %broadcast_in_dim3A_634 = vector.broadcast %jit3A_632 : i32 to vector<1024x128xi32>
    %select_n3A_635 = arith.select %lt3A_626, %broadcast_in_dim3A_633, %broadcast_in_dim3A_634 : vector<1024x128xi1>, vector<1024x128xi32>
    %jit3A_636 = arith.constant 63 : i32
    %jit3A_637 = arith.constant 62 : i32
    %broadcast_in_dim3A_638 = vector.broadcast %jit3A_636 : i32 to vector<1024x128xi32>
    %broadcast_in_dim3A_639 = vector.broadcast %jit3A_637 : i32 to vector<1024x128xi32>
    %select_n3A_640 = arith.select %lt3A_628, %broadcast_in_dim3A_638, %broadcast_in_dim3A_639 : vector<1024x128xi1>, vector<1024x128xi32>
    %select_n3A_641 = arith.select %lt3A_630, %select_n3A_640, %select_n3A_635 : vector<1024x128xi1>, vector<1024x128xi32>
    %lt3A_642 = arith.cmpf olt, %min3A_629, %min3A_604 : vector<1024x128xf32>
    %select_n3A_643 = arith.select %lt3A_642, %select_n3A_641, %select_n3A_603 : vector<1024x128xi1>, vector<1024x128xi32>
    %min3A_644 = arith.minimumf %min3A_604, %min3A_629 : vector<1024x128xf32>
    %reduce_min3A = arith.constant dense<0x7F800000> : vector<1024xf32>
    %reduce_min3A_645 = vector.multi_reduction <minimumf>, %min3A_644, %reduce_min3A [1] : vector<1024x128xf32> to vector<1024xf32>
    %broadcast_in_dim3A_646 = vector.shape_cast %reduce_min3A_645 : vector<1024xf32> to vector<1024x1xf32>
    %iota3A = tpu.iota {dimensions = array<i32: 1>} : vector<1024x128xi32>
    %mul3A_647 = arith.constant 128 : i32
    %mul3A_648 = vector.broadcast %mul3A_647 : i32 to vector<1024x128xi32>
    %mul3A_649 = arith.muli %select_n3A_643, %mul3A_648 : vector<1024x128xi32>
    %add3A_650 = arith.addi %mul3A_649, %iota3A : vector<1024x128xi32>
    %eq3A_651 = vector.broadcast %broadcast_in_dim3A_646 : vector<1024x1xf32> to vector<1024x128xf32>
    %eq3A_652 = arith.cmpf oeq, %min3A_644, %eq3A_651 : vector<1024x128xf32>
    %jit3A_653 = arith.constant 1073741824 : i32
    %broadcast_in_dim3A_654 = vector.broadcast %jit3A_653 : i32 to vector<1024x128xi32>
    %select_n3A_655 = arith.select %eq3A_652, %add3A_650, %broadcast_in_dim3A_654 : vector<1024x128xi1>, vector<1024x128xi32>
    %reduce_min3A_656 = arith.constant dense<2147483647> : vector<1024xi32>
    %reduce_min3A_657 = vector.multi_reduction <minsi>, %select_n3A_655, %reduce_min3A_656 [1] : vector<1024x128xi32> to vector<1024xi32>
    %broadcast_in_dim3A_658 = vector.shape_cast %reduce_min3A_657 : vector<1024xi32> to vector<1024x1xi32>
    %reshape3A = vector.shape_cast %broadcast_in_dim3A_658 : vector<1024x1xi32> to vector<8x128xi32>
    %swap3A = arith.constant 0 : index
    %swap3A_659 = arith.constant 0 : index
    %swap3A_660 = vector.load %arg3[%swap3A, %swap3A_659] : memref<8x128xi32, #tpu.memory_space<vmem>>, vector<8x128xi32>
    tpu.vector_store %arg3[%swap3A, %swap3A_659], %reshape3A {strides = array<i32>} : memref<8x128xi32, #tpu.memory_space<vmem>>, vector<8x128xi32>,
    %reduce_sum3A_661 = vector.shape_cast %broadcast_in_dim3A_646 : vector<1024x1xf32> to vector<1x1024x1xf32>
    %reduce_sum3A_662 = arith.constant dense<0.000000e+00> : vector<1xf32>
    %reduce_sum3A_663 = vector.multi_reduction <add>, %reduce_sum3A_661, %reduce_sum3A_662 [1, 2] : vector<1x1024x1xf32> to vector<1xf32>
    %reduce_sum3A_664 = vector.shape_cast %reduce_sum3A_663 : vector<1xf32> to vector<1x1x1xf32>
    %reduce_sum3A_665 = vector.extract %reduce_sum3A_664[0, 0, 0] : f32 from vector<1x1x1xf32>
    %eq3A_666 = arith.constant 0 : i32
    %eq3A_667 = arith.cmpi eq, %arg0, %eq3A_666 : i32
    %convert_element_type3A_668 = arith.extui %eq3A_667 : i1 to i32
    %cond3A_669 = arith.constant 0 : i32
    %cond3A_670 = arith.cmpi ne, %convert_element_type3A_668, %cond3A_669 : i32
    scf.if %cond3A_670 {
      %swap3A_680 = arith.constant 0 : index
      %swap3A_681 = memref.load %arg6[%swap3A_680] : memref<1xf32, #tpu.memory_space<smem>>
      memref.store %reduce_sum3A_665, %arg6[%swap3A_680] : memref<1xf32, #tpu.memory_space<smem>>
    } else {
    }
    %gt3A = arith.constant 0 : i32
    %gt3A_671 = arith.cmpi sgt, %arg0, %gt3A : i32
    %convert_element_type3A_672 = arith.extui %gt3A_671 : i1 to i32
    %cond3A_673 = arith.constant 0 : i32
    %cond3A_674 = arith.cmpi ne, %convert_element_type3A_672, %cond3A_673 : i32
    scf.if %cond3A_674 {
      %get3A_680 = arith.constant 0 : index
      %get3A_681 = memref.load %arg6[%get3A_680] : memref<1xf32, #tpu.memory_space<smem>>
      %add3A_682 = arith.addf %get3A_681, %reduce_sum3A_665 : f32
      %swap3A_683 = arith.constant 0 : index
      %swap3A_684 = memref.load %arg6[%swap3A_683] : memref<1xf32, #tpu.memory_space<smem>>
      memref.store %add3A_682, %arg6[%swap3A_683] : memref<1xf32, #tpu.memory_space<smem>>
    } else {
    }
    %eq3A_675 = arith.constant 7 : i32
    %eq3A_676 = arith.cmpi eq, %arg0, %eq3A_675 : i32
    %convert_element_type3A_677 = arith.extui %eq3A_676 : i1 to i32
    %cond3A_678 = arith.constant 0 : i32
    %cond3A_679 = arith.cmpi ne, %convert_element_type3A_677, %cond3A_678 : i32
    scf.if %cond3A_679 {
      %get3A_680 = arith.constant 0 : index
      %get3A_681 = memref.load %arg6[%get3A_680] : memref<1xf32, #tpu.memory_space<smem>>
      %mul3A_682 = arith.constant 5.96046448E-7 : f32
      %mul3A_683 = arith.mulf %get3A_681, %mul3A_682 : f32
      %reshape3A_684 = vector.broadcast %mul3A_683 : f32 to vector<1x1xf32>
      %swap3A_685 = arith.constant 0 : index
      %swap3A_686 = arith.constant 0 : index
      %swap3A_687 = vector.load %arg4[%swap3A_685, %swap3A_686] : memref<1x1xf32, #tpu.memory_space<vmem>>, vector<1x1xf32>
      tpu.vector_store %arg4[%swap3A_685, %swap3A_686], %reshape3A_684 {strides = array<i32>} : memref<1x1xf32, #tpu.memory_space<vmem>>, vector<1x1xf32>,
    } else {
    }
    return
  }
  func.func @transform_0(%arg0: i32) -> (i32, i32) {
    %c0_i32 = arith.constant 0 : i32
    %c0_i32_0 = arith.constant 0 : i32
    return %arg0, %c0_i32 : i32, i32
  }
  func.func @transform_1(%arg0: i32) -> (i32, i32) {
    %c0_i32 = arith.constant 0 : i32
    %c0_i32_0 = arith.constant 0 : i32
    %c0_i32_1 = arith.constant 0 : i32
    return %c0_i32, %c0_i32_0 : i32, i32
  }
  func.func @transform_2(%arg0: i32) -> (i32, i32) {
    %c0_i32 = arith.constant 0 : i32
    %c0_i32_0 = arith.constant 0 : i32
    return %arg0, %c0_i32 : i32, i32
  }
  func.func @transform_3(%arg0: i32) -> (i32, i32) {
    %c0_i32 = arith.constant 0 : i32
    %c0_i32_0 = arith.constant 0 : i32
    %c0_i32_1 = arith.constant 0 : i32
    return %c0_i32, %c0_i32_0 : i32, i32
  }
}

</mosaic_0001>

<sc_bundles>
// kernel: kernel.4.cloned.1.call-start
scs
__scs_entry_jumppad:
0x0: {  	(pc) =	sbr.rel $0x88, $3  }
0x1: {  	(tag) =	ssettag $0x0;
	lr =	simm.s32 $0x1  }
0x2: {  	[smem:$0x3F9F] =	sst lr;
	_ =	strace $0xD0000000  }
0x3: {  	_ = 	snop  }
0x4: {  	_ = 	snop  }
0x5: {  	_ = 	snop  }
0x6: {  	_ = 	snop  }
0x7: {  	_ = 	snop  }
__scs_overlays_trampoline_lowered:
0x8: {  	[smem:$0x3FAE] =	sst s0  }
0x9: {  	[smem:$0x3FAF] =	sst s1  }
0xa: {  	[smem:$0x3FB0] =	sst s2  }
0xb: {  	[smem:$0x3FB1] =	sst s3  }
0xc: {  	[smem:$0x3FB2] =	sst s4  }
0xd: {  	[smem:$0x3FB3] =	sst s5  }
0xe: {  	[smem:$0x3FB4] =	sst s6  }
0xf: {  	[smem:$0x3FB5] =	sst s7  }
0x10: {  	[smem:$0x3FB6] =	sst s8  }
0x11: {  	[smem:$0x3FB7] =	sst s9;
	s0 =	simm.s32 @!p0 $0x0  }
0x12: {  	s1 =	sld [smem:$0x3F9D];
	s0 =	simm.s32 @p0 $0x1  }
0x13: {  	[smem:$0x3FB8] =	sst s0;
	s0 =	simm.s32 @!p1 $0x0  }
0x14: {  	s2 =	sld [smem:$0x3F9C];
	s0 =	simm.s32 @p1 $0x1  }
0x15: {  	[smem:$0x3FB9] =	sst s0;
	s0 =	simm.s32 @!p2 $0x0  }
0x16: {  	s3 =	sld [smem:$0x3FDB];
	s0 =	simm.s32 @p2 $0x1  }
0x17: {  	s4 =	simm.s32 $0x1BF5;
	[smem:$0x3FBB] =	sst s0  }
0x18: {  	s0 =	sld [smem:$0x3F9E];
	_ =	swait.ge [sflag:s4], $0x0  }
0x19: {  	s7 =	sld [smem:$0x3F9F]  }
0x1a: {  	s8 =	sadd.s32 $0xFFFFE003, lr  }
0x1b: {  	s9 =	sadd.s32 $0xFFFFFEF7, lr;
	s5 =	simm.s32 $0xFFFFFFFF;
	p2 =	slt.u32 s8, $0xFFFFF086  }
0x1c: {  	p1 =	slt.u32 s9, $0xF7A;
	s5 =	simm.s32 @!p2 $0x0  }
0x1d: {  	s5 =	simm.s32 @p1 $0x1;
	p0 =	seq.s32 s7, s2  }
0x1e: {  	s7 =	smul.u32 @!p0 $0xF7A, s2;
	p2 =	seq.s32 @!p0 s5, $0x0  }
0x1f: {  	s9 =	smul.u32 $0xF7A, s1;
	s8 =	simm.s32 @!p0 $0x1BF5;
	p2 =	por !p2, p0  }
0x20: {  	[sflag:s8] =	ssyncset.s32 @!p0 $0xFFFFF086;
	s6 =	sadd.s32 @!p0 s3, s7;
	s7 =	simm.s32 @!p0 $0x108  }
0x21: {  	s3 =	sadd.s32 s3, s9;
	s6 =	sadd.s32 @!p0 $0x88, s6;
	s7 =	simm.s32 @p2 $0x1082  }
0x22: {  	[simem:s7], [sflag:s8] =	dma.local @!p0 [hbm:s6], $0xF7A  }
0x23: {  	s9 =	sor.u32 $0xD0000000, s2;
	s6 =	simm.s32 $0x108;
	_ =	swait.ge @!p0 [sflag:s8], $0x0  }
0x24: {  	s3 =	sadd.s32 $0x88, s3;
	s6 =	simm.s32 @!p1 $0x1082;
	[sflag:s4] =	ssyncset.s32 $0xFFFFF086  }
0x25: {  	[simem:s6], [sflag:s4] =	dma.local [hbm:s3], $0xF7A  }
0x26: {  	[smem:$0x3F9F] =	sst s1;
	(tag) =	ssettag s2;
	_ =	strace s9  }
0x27: {  	s1 =	sld [smem:$0x3FAF]  }
0x28: {  	s2 =	sld [smem:$0x3FB0]  }
0x29: {  	s4 =	sld [smem:$0x3FB2]  }
0x2a: {  	p0 =	seq.s32 s5, $0x0;
	s5 =	sld [smem:$0x3FB3]  }
0x2b: {  	s6 =	sld [smem:$0x3FB4]  }
0x2c: {  	s7 =	sld [smem:$0x3FB5]  }
0x2d: {  	s3 =	simm.s32 $0x108;
	s8 =	sld [smem:$0x3FB6]  }
0x2e: {  	s3 =	simm.s32 @!p0 $0x1082;
	s9 =	sld [smem:$0x3FB7]  }
0x2f: {  	lr =	sadd.s32 s0, s3;
	s0 =	sld [smem:$0x3FAE]  }
0x30: {  	s3 =	sld [smem:$0x3FB1]  }
0x31: {  	[smem:$0x3FBA] =	sst s10  }
0x32: {  	s10 =	sld [smem:$0x3FB8];
	_ =	sdelay $0x3  }
0x33: {  	p0 =	seq.s32 s10, $0x1;
	s10 =	sld [smem:$0x3FBA];
	_ =	sdelay $0x3  }
0x34: {  	[smem:$0x3FBA] =	sst s10  }
0x35: {  	s10 =	sld [smem:$0x3FB9];
	_ =	sdelay $0x3  }
0x36: {  	p1 =	seq.s32 s10, $0x1;
	s10 =	sld [smem:$0x3FBA];
	_ =	sdelay $0x3  }
0x37: {  	[smem:$0x3FBA] =	sst s10  }
0x38: {  	s10 =	sld [smem:$0x3FBB]  }
0x39: {  	_ = 	snop;
	(pc) =	sbr.ind lr, $3  }
0x3a: {  	_ = 	snop  }
0x3b: {  	_ = 	snop  }
0x3c: {  	p2 =	seq.s32 s10, $0x1;
	s10 =	sld [smem:$0x3FBA]  }
0x3d: {  	_ =	shalt  }
0x3e: {  	_ =	shalt  }
0x3f: {  	_ =	shalt  }
0x40: {  	_ =	shalt  }
0x41: {  	_ =	shalt  }
0x42: {  	_ =	shalt  }
0x43: {  	_ =	shalt  }
0x44: {  	_ =	shalt  }
0x45: {  	_ =	shalt  }
0x46: {  	_ =	shalt  }
0x47: {  	_ =	shalt  }
0x48: {  	_ =	shalt  }
0x49: {  	_ =	shalt  }
0x4a: {  	_ =	shalt  }
0x4b: {  	_ =	shalt  }
0x4c: {  	_ =	shalt  }
0x4d: {  	_ =	shalt  }
0x4e: {  	_ =	shalt  }
0x4f: {  	_ =	shalt  }
0x50: {  	_ =	shalt  }
0x51: {  	_ =	shalt  }
0x52: {  	_ =	shalt  }
0x53: {  	_ =	shalt  }
0x54: {  	_ =	shalt  }
0x55: {  	_ =	shalt  }
0x56: {  	_ =	shalt  }
0x57: {  	_ =	shalt  }
0x58: {  	_ =	shalt  }
0x59: {  	_ =	shalt  }
0x5a: {  	_ =	shalt  }
0x5b: {  	_ =	shalt  }
0x5c: {  	_ =	shalt  }
0x5d: {  	_ =	shalt  }
0x5e: {  	_ =	shalt  }
0x5f: {  	_ =	shalt  }
0x60: {  	_ =	shalt  }
0x61: {  	_ =	shalt  }
0x62: {  	_ =	shalt  }
0x63: {  	_ =	shalt  }
0x64: {  	_ =	shalt  }
0x65: {  	_ =	shalt  }
0x66: {  	_ =	shalt  }
0x67: {  	_ =	shalt  }
0x68: {  	_ =	shalt  }
0x69: {  	_ =	shalt  }
0x6a: {  	_ =	shalt  }
0x6b: {  	_ =	shalt  }
0x6c: {  	_ =	shalt  }
0x6d: {  	_ =	shalt  }
0x6e: {  	_ =	shalt  }
0x6f: {  	_ =	shalt  }
0x70: {  	_ =	shalt  }
0x71: {  	_ =	shalt  }
0x72: {  	_ =	shalt  }
0x73: {  	_ =	shalt  }
0x74: {  	_ =	shalt  }
0x75: {  	_ =	shalt  }
0x76: {  	_ =	shalt  }
0x77: {  	_ =	shalt  }
0x78: {  	_ =	shalt  }
0x79: {  	_ =	shalt  }
0x7a: {  	_ =	shalt  }
0x7b: {  	_ =	shalt  }
0x7c: {  	_ =	shalt  }
0x7d: {  	_ =	shalt  }
0x7e: {  	_ =	shalt  }
0x7f: {  	_ =	shalt  }
0x80: {  	_ =	shalt  }
0x81: {  	_ =	shalt  }
0x82: {  	_ =	shalt  }
0x83: {  	_ =	shalt  }
0x84: {  	_ =	shalt  }
0x85: {  	_ =	shalt  }
0x86: {  	_ =	shalt  }
0x87: {  	_ =	shalt  }
.Lfunc_end0:
.L_simem_size_0:
called_computation_lowered:
.L_overlay_start_0:
0x88: {  	s2 =	sld [smem:$0x3FD9]  }
0x89: {  	s3 =	sld [smem:$0x3FFE];
	_ =	sdelay $0x1  }
0x8a: {  	s1 =	srdreg.scid  }
0x8b: {  	s0 =	sand.u32 $0x1, s1  }
0x8c: {  	s15 =	sshll.u32 s0, $0xA;
	s2 =	sadd.s32 s3, s2  }
0x8d: {  	s2 =	sadd.s32 s2, s15  }
0x8e: {  	[smem:$0x3FC6] =	sst s2  }
0x8f: {  	_ = 	snop  }
0x90: {  	s2 =	sld [smem:$0x3FD0];
	_ =	sdelay $0x2  }
0x91: {  	s4 =	simm.s32 $0xA;
	s5 =	simm.s32 $0x10;
	s16 =	sld [smem:$0x3FC8]  }
0x92: {  	[smem:s5], [sflag:s4] =	dma.local [hbm:s2], $0x1  }
0x93: {  	_ =	swait.eq [sflag:s4], $0x1  }
0x94: {  	[sflag:s4] =	ssyncset.done $0x0  }
0x95: {  	s17 =	sld [smem:$0x10];
	[sflag:s4] =	ssyncadd.s32 $0xFFFFFFFF  }
0x96: {  	s18 =	sld [smem:$0x12];
	(tm) =	ssettm $0x1  }
0x97: {  	s19 =	sld [smem:$0x3FFB];
	_ =	sdelay $0x3  }
0x98: {  	_ =	strace s19  }
0x99: {  	s5 =	sld [smem:$0x3FFC];
	_ =	sdelay $0x3  }
0x9a: {  	_ =	strace s5  }
0x9b: {  	s5 =	sld [smem:$0x3FFD];
	_ =	sdelay $0x3  }
0x9c: {  	_ =	strace s5  }
0x9d: {  	_ =	strace $0x8FFFFFFF  }
0x9e: {  	s20 =	sld [smem:$0x3FDB];
	_ =	sdelay $0x1  }
0x9f: {  	s6 =	simm.s32 $_scs_section_size  }
0xa0: {  	s7 =	simm.s32 $_size__tile_overlayer_lowered;
	s8 =	simm.s32 $_tile_overlayer_lowered  }
0xa1: {  	s23 =	simm.s32 $0x1BFF;
	s22 =	sshll.u32 s8, $0x1;
	s5 =	sadd.s32 s6, s20  }
0xa2: {  	s9 =	simm.s32 $0x0;
	s21 =	sshll.u32 s7, $0x1;
	s7 =	sadd.s32 s22, s5  }
0xa3: {  	[timem:s9], [sflag:s23] =	dma.local [hbm:s7], s21  }
0xa4: {  	_ =	swait.ge [sflag:s23], s21  }
0xa5: {  	s6 =	ssub.s32 $0x0, s21;
	[sflag:s23] =	ssyncset.done $0x0  }
0xa6: {  	[sflag:s23] =	ssyncadd.s32 s6;
	_ =	sdelay $0x1  }
0xa7: {  	s24 =	simm.s32 $0x1B8B  }
0xa8: {  	_ =	swait.ge [sflag:s24], $0x1  }
0xa9: {  	[sflag:s24] =	ssyncset.done $0x0  }
0xaa: {  	s25 =	simm.s32 $0x1B8E;
	[sflag:s24] =	ssyncadd.s32 $0xFFFFFFFF  }
0xab: {  	s26 =	simm.s32 $execute0_lowered;
	[smem:$0x3FD2] =	sst s25  }
0xac: {  	s6 =	sshll.u32 s26, $0x1;
	_ =	strace $0x80000046;
	[dreg:$0x1] =	wrdreg $0xFFFFFFFF  }
0xad: {  	s28 =	simm.s32 $_size_execute0_lowered;
	s5 =	sadd.s32 s5, s6;
	[dreg:$0x0] =	wrdreg $0x0  }
0xae: {  	s6 =	sshll.u32 s28, $0x1;
	[dreg:$0x2] =	wrdreg s5  }
0xaf: {  	[dreg:$0x3] =	wrdreg s6  }
0xb0: {  	[dreg:$0x4] =	wrdreg $0xC0  }
0xb1: {  	_ =	task [dreg:s9], $0x5FFFF  }
0xb2: {  	[dreg:$0x1] =	wrdreg $0xFFFFFFFF  }
0xb3: {  	[dreg:$0x0] =	wrdreg $0x60  }
0xb4: {  	[dreg:$0x2] =	wrdreg s16  }
0xb5: {  	[dreg:$0x3] =	wrdreg s18  }
0xb6: {  	[dreg:$0x4] =	wrdreg s17  }
0xb7: {  	[dreg:$0x5] =	wrdreg $0x9  }
0xb8: {  	_ =	task.clear_ibuf [dreg:s9], $0x6FFFF;
	_ =	strace $0x90000046  }
0xb9: {  	s29 =	simm.s32 $0x9;
	_ =	strace $0x80000048  }
0xba: {  	_ =	swait.ge [sflag:s29], $0x1  }
0xbb: {  	[sflag:s29] =	ssyncadd.s32 $0xFFFFFFFF  }
0xbc: {  	_ =	strace $0x90000048  }
0xbd: {  	_ =	sfence  }
0xbe: {  	s30 =	sld [smem:$0x0];
	_ =	sdelay $0x2  }
0xbf: {  	s31 =	sshll.u32 s1, $0xD;
	s1 =	sshrl.u32 s1, $0x2  }
0xc0: {  	s3 =	sand.u32 $0x4000, s31;
	s1 =	sadd.s32 s1, s30  }
0xc1: {  	s0 =	sor.u32 s3, s0;
	s1 =	sshll.u32 s1, $0x11  }
0xc2: {  	s0 =	sor.u32 s1, s0  }
0xc3: {  	s0 =	sadd.s32 $0x8F2B, s0  }
0xc4: {  	[sflag:s0] =	ssyncadd.remote.s32 $0x1  }
0xc5: {  	_ =	sfence.sel $0xFFFF  }
0xc6: {  	[dreg:$0x0] =	wrdreg $0xFFFFFFFF;
	(pc) =	sbr.abs _section_cstart, $3  }
0xc7: {  	[dreg:$0x1] =	wrdreg $0xFFFFFFFF  }
0xc8: {  	_ =	task.clear_ibuf [dreg:s9], $0x2FFFF;
	_ =	strace $0x9FFFFFFF  }
0xc9: {  	(tm) =	ssettm $0x7FFFFFFF  }
tec
execute0_lowered:
.L_overlay_start_1:
0x0: {  	(tag) =	ssettag $0x1  }
0x1: {  	s1 =	rddreg [dreg:$0x0]  }
0x2: {  	s2 =	srdreg.scid;
	s4 =	rddreg [dreg:$0x1]  }
0x3: {  	s0 =	stileid.u32;
	s5 =	rddreg [dreg:$0x2]  }
0x4: {  	s3 =	simm.s32 $0x0;
	s19 =	simm.s32 $0x900;
	s20 =	simm.s32 $0x1100  }
0x5: {  	s21 =	simm.s32 $0x1900;
	s23 =	simm.s32 $0x2100;
	s24 =	simm.s32 $0x2900  }
0x6: {  	s25 =	simm.s32 $0x3100;
	s26 =	simm.s32 $0x3900;
	s8 =	simm.s32 $0x4900  }
0x7: {  	s9 =	simm.s32 $0x5100;
	s10 =	simm.s32 $0x5900;
	s11 =	simm.s32 $0x6100  }
0x8: {  	s12 =	simm.s32 $0x6900;
	s13 =	simm.s32 $0x7100;
	[smem:$0x7FF] =	sst s3  }
0x9: {  	s14 =	simm.s32 $0x7900;
	_ =	strace $0x80000047;
	[dreg:$0x6] =	wrdreg s19  }
0xa: {  	s15 =	simm.s32 $0x8100;
	s16 =	simm.s32 $0x8900;
	[dreg:$0x7] =	wrdreg s20  }
0xb: {  	s17 =	simm.s32 $0x9100;
	s28 =	simm.s32 $0xE100;
	[dreg:$0x8] =	wrdreg s21  }
0xc: {  	s29 =	simm.s32 $0xE900;
	s30 =	simm.s32 $0xF100;
	[dreg:$0x9] =	wrdreg s23  }
0xd: {  	s31 =	simm.s32 $0xF900;
	s2 =	sand.u32 $0x1, s2;
	[dreg:$0xa] =	wrdreg s24  }
0xe: {  	s6 =	sshll.u32 s0, $0x9;
	s7 =	sshll.u32 s2, $0x8;
	[dreg:$0xb] =	wrdreg s25  }
0xf: {  	s2 =	ssub.s32 $0x2, s2;
	[dreg:$0xc] =	wrdreg s26;
	s19 =	simm.s32 $0xA100  }
0x10: {  	s20 =	simm.s32 $0xA900;
	s21 =	simm.s32 $0xB100;
	s23 =	simm.s32 $0xC100  }
0x11: {  	s24 =	simm.s32 $0xC900;
	s25 =	simm.s32 $0xD100;
	s6 =	sor.u32 s7, s6  }
0x12: {  	s26 =	simm.s32 $0xD900;
	s22 =	sshrl.u32 s2, $0x1;
	s7 =	sshrl.u32 s6, $0x3  }
0x13: {  	s6 =	sshll.u32 s6, $0x5;
	s2 =	ssub.s32 s2, s22;
	s4 =	sadd.s32 s4, s7  }
0x14: {  	v2 =	vlaneseq.u32;
	s22 =	simm.s32 $0xB900;
	s18 =	sadd.s32 s5, s6;
	[dreg:$0x4] =	wrdreg s4  }
0x15: {  	vm0 =	vmmov $0xffff;
	v1 =	vshrl.u32 v2, $0x3;
	s5 =	simm.s32 $0x2;
	s6 =	simm.s32 $0x100;
	[dreg:$0x5] =	wrdreg s18  }
0x16: {  	v0 =	vand.u32 $0x7, v2;
	v2 =	vor.u32 $0x8, v2;
	v1 =	vmul.u32 $0x8, v1;
	s4 =	smax.u32 s2, $0x1;
	s18 =	simm.s32 $0x9900;
	s2 =	simm.s32 $0x1  }
.LBB2_1:
0x17: {  	s0 =	rddreg [dreg:$0x4]  }
0x18: {  	[tilespmem:s3], [sflag:$0x2] =	stream.linear.gather [hbm4b:s0+s3], $0x100, $0x38;
	[tilespmem:$0x10100] =	vst v63  }
0x19: {  	_ =	swait.ge [sflag:s5], $0x100  }
0x1a: {  	[sflag:s5] =	ssyncset.done $0x0  }
0x1b: {  	[sflag:s5] =	ssyncadd.s32 $0xFFFFFF00  }
0x1c: {  	v3 =	vld [tilespmem:$0x0];
	_ =	sdelay $0x4  }
0x1d: {  	v4 =	vshll.u32 v3, $0x1  }
0x1e: {  	v3 =	vand.u32 $0x7, v3;
	v4 =	vand.u32 $0xFFFFFFF0, v4  }
0x1f: {  	v3 =	vor.u32 v3, v4  }
0x20: {  	v4 =	vperm.xlane v3, v0;
	_ =	sdelay $0x1  }
0x21: {  	v3 =	vperm.xlane v3, v2;
	v4 =	vadd.s32 v1, v4;
	_ =	sdelay $0x1  }
0x22: {  	v3 =	vadd.s32 v1, v3;
	_ =	sdelay $0x2  }
0x23: {  	[tilespmem:s6], [sflag:$0x1] =	stream.indirect_vreg.gather [hbm4b:s1+s3], $0x80, v4, vm0, $0xb8;
	[tilespmem:$0x10100] =	vst v63  }
0x24: {  	s7 =	rddreg [dreg:$0x6]  }
0x25: {  	[tilespmem:s7], [sflag:$0x1] =	stream.indirect_vreg.gather [hbm4b:s1+s3], $0x80, v3, vm0, $0xb8;
	[tilespmem:$0x10100] =	vst v63  }
0x26: {  	v3 =	vld [tilespmem:$0x10];
	_ =	sdelay $0x4  }
0x27: {  	v49 =	vshll.u32 v3, $0x1  }
0x28: {  	v3 =	vand.u32 $0x7, v3;
	v4 =	vand.u32 $0xFFFFFFF0, v49  }
0x29: {  	v3 =	vor.u32 v3, v4  }
0x2a: {  	v4 =	vperm.xlane v3, v0;
	_ =	sdelay $0x1  }
0x2b: {  	v3 =	vperm.xlane v3, v2;
	v4 =	vadd.s32 v1, v4;
	_ =	sdelay $0x1  }
0x2c: {  	v3 =	vadd.s32 v1, v3;
	_ =	sdelay $0x1  }
0x2d: {  	s0 =	rddreg [dreg:$0x7]  }
0x2e: {  	[tilespmem:s0], [sflag:$0x1] =	stream.indirect_vreg.gather [hbm4b:s1+s3], $0x80, v4, vm0, $0xb8;
	[tilespmem:$0x10100] =	vst v63  }
0x2f: {  	s7 =	rddreg [dreg:$0x8]  }
0x30: {  	[tilespmem:s7], [sflag:$0x1] =	stream.indirect_vreg.gather [hbm4b:s1+s3], $0x80, v3, vm0, $0xb8;
	[tilespmem:$0x10100] =	vst v63  }
0x31: {  	v3 =	vld [tilespmem:$0x20];
	_ =	sdelay $0x4  }
0x32: {  	v50 =	vshll.u32 v3, $0x1  }
0x33: {  	v3 =	vand.u32 $0x7, v3;
	v4 =	vand.u32 $0xFFFFFFF0, v50  }
0x34: {  	v3 =	vor.u32 v3, v4  }
0x35: {  	v4 =	vperm.xlane v3, v0;
	_ =	sdelay $0x1  }
0x36: {  	v3 =	vperm.xlane v3, v2;
	v4 =	vadd.s32 v1, v4;
	_ =	sdelay $0x1  }
0x37: {  	v3 =	vadd.s32 v1, v3;
	_ =	sdelay $0x1  }
0x38: {  	s0 =	rddreg [dreg:$0x9]  }
0x39: {  	[tilespmem:s0], [sflag:$0x1] =	stream.indirect_vreg.gather [hbm4b:s1+s3], $0x80, v4, vm0, $0xb8;
	[tilespmem:$0x10100] =	vst v63  }
0x3a: {  	s7 =	rddreg [dreg:$0xa]  }
0x3b: {  	[tilespmem:s7], [sflag:$0x1] =	stream.indirect_vreg.gather [hbm4b:s1+s3], $0x80, v3, vm0, $0xb8;
	[tilespmem:$0x10100] =	vst v63  }
0x3c: {  	v3 =	vld [tilespmem:$0x30];
	_ =	sdelay $0x4  }
0x3d: {  	v51 =	vshll.u32 v3, $0x1  }
0x3e: {  	v3 =	vand.u32 $0x7, v3;
	v4 =	vand.u32 $0xFFFFFFF0, v51  }
0x3f: {  	v3 =	vor.u32 v3, v4  }
0x40: {  	v4 =	vperm.xlane v3, v0;
	_ =	sdelay $0x1  }
0x41: {  	v3 =	vperm.xlane v3, v2;
	v4 =	vadd.s32 v1, v4;
	_ =	sdelay $0x1  }
0x42: {  	v3 =	vadd.s32 v1, v3;
	_ =	sdelay $0x1  }
0x43: {  	s0 =	rddreg [dreg:$0xb]  }
0x44: {  	[tilespmem:s0], [sflag:$0x1] =	stream.indirect_vreg.gather [hbm4b:s1+s3], $0x80, v4, vm0, $0xb8;
	[tilespmem:$0x10100] =	vst v63  }
0x45: {  	s7 =	rddreg [dreg:$0xc]  }
0x46: {  	[tilespmem:s7], [sflag:$0x1] =	stream.indirect_vreg.gather [hbm4b:s1+s3], $0x80, v3, vm0, $0xb8;
	[tilespmem:$0x10100] =	vst v63  }
0x47: {  	v3 =	vld [tilespmem:$0x40];
	_ =	sdelay $0x4  }
0x48: {  	v52 =	vshll.u32 v3, $0x1  }
0x49: {  	v3 =	vand.u32 $0x7, v3;
	v4 =	vand.u32 $0xFFFFFFF0, v52  }
0x4a: {  	v3 =	vor.u32 v3, v4  }
0x4b: {  	v4 =	vperm.xlane v3, v0;
	_ =	sdelay $0x1  }
0x4c: {  	v3 =	vperm.xlane v3, v2;
	v4 =	vadd.s32 v1, v4;
	_ =	sdelay $0x1  }
0x4d: {  	v3 =	vadd.s32 v1, v3;
	_ =	sdelay $0x1  }
0x4e: {  	s7 =	simm.s32 $0x4100  }
0x4f: {  	[tilespmem:s7], [sflag:$0x1] =	stream.indirect_vreg.gather [hbm4b:s1+s3], $0x80, v4, vm0, $0xb8;
	[tilespmem:$0x10100] =	vst v63  }
0x50: {  	_ = 	snop  }
0x51: {  	[tilespmem:s8], [sflag:$0x1] =	stream.indirect_vreg.gather [hbm4b:s1+s3], $0x80, v3, vm0, $0xb8;
	[tilespmem:$0x10100] =	vst v63  }
0x52: {  	v3 =	vld [tilespmem:$0x50];
	_ =	sdelay $0x4  }
0x53: {  	v53 =	vshll.u32 v3, $0x1  }
0x54: {  	v3 =	vand.u32 $0x7, v3;
	v4 =	vand.u32 $0xFFFFFFF0, v53  }
0x55: {  	v3 =	vor.u32 v3, v4  }
0x56: {  	v4 =	vperm.xlane v3, v0;
	_ =	sdelay $0x1  }
0x57: {  	v3 =	vperm.xlane v3, v2;
	v4 =	vadd.s32 v1, v4;
	_ =	sdelay $0x1  }
0x58: {  	v3 =	vadd.s32 v1, v3;
	_ =	sdelay $0x2  }
0x59: {  	[tilespmem:s9], [sflag:$0x1] =	stream.indirect_vreg.gather [hbm4b:s1+s3], $0x80, v4, vm0, $0xb8;
	[tilespmem:$0x10100] =	vst v63  }
0x5a: {  	_ = 	snop  }
0x5b: {  	[tilespmem:s10], [sflag:$0x1] =	stream.indirect_vreg.gather [hbm4b:s1+s3], $0x80, v3, vm0, $0xb8;
	[tilespmem:$0x10100] =	vst v63  }
0x5c: {  	v3 =	vld [tilespmem:$0x60];
	_ =	sdelay $0x4  }
0x5d: {  	v54 =	vshll.u32 v3, $0x1  }
0x5e: {  	v3 =	vand.u32 $0x7, v3;
	v4 =	vand.u32 $0xFFFFFFF0, v54  }
0x5f: {  	v3 =	vor.u32 v3, v4  }
0x60: {  	v4 =	vperm.xlane v3, v0;
	_ =	sdelay $0x1  }
0x61: {  	v3 =	vperm.xlane v3, v2;
	v4 =	vadd.s32 v1, v4;
	_ =	sdelay $0x1  }
0x62: {  	v3 =	vadd.s32 v1, v3;
	_ =	sdelay $0x2  }
0x63: {  	[tilespmem:s11], [sflag:$0x1] =	stream.indirect_vreg.gather [hbm4b:s1+s3], $0x80, v4, vm0, $0xb8;
	[tilespmem:$0x10100] =	vst v63  }
0x64: {  	_ = 	snop  }
0x65: {  	[tilespmem:s12], [sflag:$0x1] =	stream.indirect_vreg.gather [hbm4b:s1+s3], $0x80, v3, vm0, $0xb8;
	[tilespmem:$0x10100] =	vst v63  }
0x66: {  	v3 =	vld [tilespmem:$0x70];
	_ =	sdelay $0x4  }
0x67: {  	v55 =	vshll.u32 v3, $0x1  }
0x68: {  	v3 =	vand.u32 $0x7, v3;
	v4 =	vand.u32 $0xFFFFFFF0, v55  }
0x69: {  	v3 =	vor.u32 v3, v4  }
0x6a: {  	v4 =	vperm.xlane v3, v0;
	_ =	sdelay $0x1  }
0x6b: {  	v3 =	vperm.xlane v3, v2;
	v4 =	vadd.s32 v1, v4;
	_ =	sdelay $0x1  }
0x6c: {  	v3 =	vadd.s32 v1, v3;
	_ =	sdelay $0x2  }
0x6d: {  	[tilespmem:s13], [sflag:$0x1] =	stream.indirect_vreg.gather [hbm4b:s1+s3], $0x80, v4, vm0, $0xb8;
	[tilespmem:$0x10100] =	vst v63  }
0x6e: {  	_ = 	snop  }
0x6f: {  	[tilespmem:s14], [sflag:$0x1] =	stream.indirect_vreg.gather [hbm4b:s1+s3], $0x80, v3, vm0, $0xb8;
	[tilespmem:$0x10100] =	vst v63  }
0x70: {  	v3 =	vld [tilespmem:$0x80];
	_ =	sdelay $0x4  }
0x71: {  	v56 =	vshll.u32 v3, $0x1  }
0x72: {  	v3 =	vand.u32 $0x7, v3;
	v4 =	vand.u32 $0xFFFFFFF0, v56  }
0x73: {  	v3 =	vor.u32 v3, v4  }
0x74: {  	v4 =	vperm.xlane v3, v0;
	_ =	sdelay $0x1  }
0x75: {  	v3 =	vperm.xlane v3, v2;
	v4 =	vadd.s32 v1, v4;
	_ =	sdelay $0x1  }
0x76: {  	v3 =	vadd.s32 v1, v3;
	_ =	sdelay $0x2  }
0x77: {  	[tilespmem:s15], [sflag:$0x1] =	stream.indirect_vreg.gather [hbm4b:s1+s3], $0x80, v4, vm0, $0xb8;
	[tilespmem:$0x10100] =	vst v63  }
0x78: {  	_ = 	snop  }
0x79: {  	[tilespmem:s16], [sflag:$0x1] =	stream.indirect_vreg.gather [hbm4b:s1+s3], $0x80, v3, vm0, $0xb8;
	[tilespmem:$0x10100] =	vst v63  }
0x7a: {  	v3 =	vld [tilespmem:$0x90];
	_ =	sdelay $0x4  }
0x7b: {  	v57 =	vshll.u32 v3, $0x1  }
0x7c: {  	v3 =	vand.u32 $0x7, v3;
	v4 =	vand.u32 $0xFFFFFFF0, v57  }
0x7d: {  	v3 =	vor.u32 v3, v4  }
0x7e: {  	v4 =	vperm.xlane v3, v0;
	_ =	sdelay $0x1  }
0x7f: {  	v3 =	vperm.xlane v3, v2;
	v4 =	vadd.s32 v1, v4;
	_ =	sdelay $0x1  }
0x80: {  	v3 =	vadd.s32 v1, v3;
	_ =	sdelay $0x2  }
0x81: {  	[tilespmem:s17], [sflag:$0x1] =	stream.indirect_vreg.gather [hbm4b:s1+s3], $0x80, v4, vm0, $0xb8;
	[tilespmem:$0x10100] =	vst v63  }
0x82: {  	_ = 	snop  }
0x83: {  	[tilespmem:s18], [sflag:$0x1] =	stream.indirect_vreg.gather [hbm4b:s1+s3], $0x80, v3, vm0, $0xb8;
	[tilespmem:$0x10100] =	vst v63  }
0x84: {  	v3 =	vld [tilespmem:$0xA0];
	_ =	sdelay $0x4  }
0x85: {  	v58 =	vshll.u32 v3, $0x1  }
0x86: {  	v3 =	vand.u32 $0x7, v3;
	v4 =	vand.u32 $0xFFFFFFF0, v58  }
0x87: {  	v3 =	vor.u32 v3, v4  }
0x88: {  	v4 =	vperm.xlane v3, v0;
	_ =	sdelay $0x1  }
0x89: {  	v3 =	vperm.xlane v3, v2;
	v4 =	vadd.s32 v1, v4;
	_ =	sdelay $0x1  }
0x8a: {  	v3 =	vadd.s32 v1, v3;
	_ =	sdelay $0x2  }
0x8b: {  	[tilespmem:s19], [sflag:$0x1] =	stream.indirect_vreg.gather [hbm4b:s1+s3], $0x80, v4, vm0, $0xb8;
	[tilespmem:$0x10100] =	vst v63  }
0x8c: {  	_ = 	snop  }
0x8d: {  	[tilespmem:s20], [sflag:$0x1] =	stream.indirect_vreg.gather [hbm4b:s1+s3], $0x80, v3, vm0, $0xb8;
	[tilespmem:$0x10100] =	vst v63  }
0x8e: {  	v3 =	vld [tilespmem:$0xB0];
	_ =	sdelay $0x4  }
0x8f: {  	v59 =	vshll.u32 v3, $0x1  }
0x90: {  	v3 =	vand.u32 $0x7, v3;
	v4 =	vand.u32 $0xFFFFFFF0, v59  }
0x91: {  	v3 =	vor.u32 v3, v4  }
0x92: {  	v4 =	vperm.xlane v3, v0;
	_ =	sdelay $0x1  }
0x93: {  	v3 =	vperm.xlane v3, v2;
	v4 =	vadd.s32 v1, v4;
	_ =	sdelay $0x1  }
0x94: {  	v3 =	vadd.s32 v1, v3;
	_ =	sdelay $0x2  }
0x95: {  	[tilespmem:s21], [sflag:$0x1] =	stream.indirect_vreg.gather [hbm4b:s1+s3], $0x80, v4, vm0, $0xb8;
	[tilespmem:$0x10100] =	vst v63  }
0x96: {  	_ = 	snop  }
0x97: {  	[tilespmem:s22], [sflag:$0x1] =	stream.indirect_vreg.gather [hbm4b:s1+s3], $0x80, v3, vm0, $0xb8;
	[tilespmem:$0x10100] =	vst v63  }
0x98: {  	v3 =	vld [tilespmem:$0xC0];
	_ =	sdelay $0x4  }
0x99: {  	v60 =	vshll.u32 v3, $0x1  }
0x9a: {  	v3 =	vand.u32 $0x7, v3;
	v4 =	vand.u32 $0xFFFFFFF0, v60  }
0x9b: {  	v3 =	vor.u32 v3, v4  }
0x9c: {  	v4 =	vperm.xlane v3, v0;
	_ =	sdelay $0x1  }
0x9d: {  	v3 =	vperm.xlane v3, v2;
	v4 =	vadd.s32 v1, v4;
	_ =	sdelay $0x1  }
0x9e: {  	v3 =	vadd.s32 v1, v3;
	_ =	sdelay $0x2  }
0x9f: {  	[tilespmem:s23], [sflag:$0x1] =	stream.indirect_vreg.gather [hbm4b:s1+s3], $0x80, v4, vm0, $0xb8;
	[tilespmem:$0x10100] =	vst v63  }
0xa0: {  	_ = 	snop  }
0xa1: {  	[tilespmem:s24], [sflag:$0x1] =	stream.indirect_vreg.gather [hbm4b:s1+s3], $0x80, v3, vm0, $0xb8;
	[tilespmem:$0x10100] =	vst v63  }
0xa2: {  	v3 =	vld [tilespmem:$0xD0];
	_ =	sdelay $0x4  }
0xa3: {  	v61 =	vshll.u32 v3, $0x1  }
0xa4: {  	v3 =	vand.u32 $0x7, v3;
	v4 =	vand.u32 $0xFFFFFFF0, v61  }
0xa5: {  	v3 =	vor.u32 v3, v4  }
0xa6: {  	v4 =	vperm.xlane v3, v0;
	_ =	sdelay $0x1  }
0xa7: {  	v3 =	vperm.xlane v3, v2;
	v4 =	vadd.s32 v1, v4;
	_ =	sdelay $0x1  }
0xa8: {  	v3 =	vadd.s32 v1, v3;
	_ =	sdelay $0x2  }
0xa9: {  	[tilespmem:s25], [sflag:$0x1] =	stream.indirect_vreg.gather [hbm4b:s1+s3], $0x80, v4, vm0, $0xb8;
	[tilespmem:$0x10100] =	vst v63  }
0xaa: {  	_ = 	snop  }
0xab: {  	[tilespmem:s26], [sflag:$0x1] =	stream.indirect_vreg.gather [hbm4b:s1+s3], $0x80, v3, vm0, $0xb8;
	[tilespmem:$0x10100] =	vst v63  }
0xac: {  	v3 =	vld [tilespmem:$0xE0];
	_ =	sdelay $0x4  }
0xad: {  	v62 =	vshll.u32 v3, $0x1  }
0xae: {  	v3 =	vand.u32 $0x7, v3;
	v4 =	vand.u32 $0xFFFFFFF0, v62  }
0xaf: {  	v3 =	vor.u32 v3, v4  }
0xb0: {  	v4 =	vperm.xlane v3, v0;
	_ =	sdelay $0x1  }
0xb1: {  	v3 =	vperm.xlane v3, v2;
	v4 =	vadd.s32 v1, v4;
	_ =	sdelay $0x1  }
0xb2: {  	v3 =	vadd.s32 v1, v3;
	_ =	sdelay $0x2  }
0xb3: {  	[tilespmem:s28], [sflag:$0x1] =	stream.indirect_vreg.gather [hbm4b:s1+s3], $0x80, v4, vm0, $0xb8;
	[tilespmem:$0x10100] =	vst v63  }
0xb4: {  	_ = 	snop  }
0xb5: {  	[tilespmem:s29], [sflag:$0x1] =	stream.indirect_vreg.gather [hbm4b:s1+s3], $0x80, v3, vm0, $0xb8;
	[tilespmem:$0x10100] =	vst v63  }
0xb6: {  	v3 =	vld [tilespmem:$0xF0];
	_ =	sdelay $0x4  }
0xb7: {  	v63 =	vshll.u32 v3, $0x1  }
0xb8: {  	v3 =	vand.u32 $0x7, v3;
	v4 =	vand.u32 $0xFFFFFFF0, v63  }
0xb9: {  	v3 =	vor.u32 v3, v4  }
0xba: {  	v4 =	vperm.xlane v3, v0;
	_ =	sdelay $0x1  }
0xbb: {  	v3 =	vperm.xlane v3, v2;
	v4 =	vadd.s32 v1, v4;
	_ =	sdelay $0x1  }
0xbc: {  	v3 =	vadd.s32 v1, v3;
	_ =	sdelay $0x2  }
0xbd: {  	[tilespmem:s30], [sflag:$0x1] =	stream.indirect_vreg.gather [hbm4b:s1+s3], $0x80, v4, vm0, $0xb8;
	[tilespmem:$0x10100] =	vst v63  }
0xbe: {  	_ = 	snop  }
0xbf: {  	[tilespmem:s31], [sflag:$0x1] =	stream.indirect_vreg.gather [hbm4b:s1+s3], $0x80, v3, vm0, $0xb8;
	[tilespmem:$0x10100] =	vst v63  }
0xc0: {  	_ =	swait.ge [sflag:s2], $0x10000  }
0xc1: {  	p0 =	sne.s32 s4, $0x1;
	[sflag:s2] =	ssyncset.done $0x0  }
.Ltmp0:
0xc2: {  	s7 =	rddreg [dreg:$0x5];
	[sflag:s2] =	ssyncadd.s32 $0xFFFF0000;
	(pc) =	sbr.rel @p0 .LBB2_1-.Ltmp0, $4  }
0xc3: {  	[hbm4b:s7+s3] =	stream.linear.scatter [tilespmem:s6], [sflag:$0x2], $0x10000, $0x38;
	[tilespmem:$0x10100] =	vst v63  }
0xc4: {  	_ =	swait.ge [sflag:s5], $0x10000  }
0xc5: {  	[sflag:s5] =	ssyncset.done $0x0  }
0xc6: {  	s4 =	sadd.s32 $0xFFFFFFFF, s4;
	[sflag:s5] =	ssyncadd.s32 $0xFFFF0000  }
0xc7: {  	_ =	sfence.sel $0x180000  }
0xc8: {  	[bflag:$0x0] =	sbarrier.arrive $0xFFFF  }
0xc9: {  	_ =	strace $0x90000047  }
0xca: {  	s0 =	stileid.u32;
	[bflag:$0x2] =	sbarrier.arrive $0xFFFF  }
0xcb: {  	p0 =	sne.s32 s0, $0x0;
	s0 =	rddreg [dreg:$0x3]  }
0xcc: {  	s0 =	sadd.s32 @!p0 $0x100000, s0  }
0xcd: {  	[sflag:s0] =	ssyncadd.tile.s32 @!p0 $0x1;
	_ =	shalt  }
.Lfunc_end2:
_tile_overlayer_lowered:
.L_overlay_start_2:
0xce: {  	(tag) =	ssettag $0x2  }
0xcf: {  	s0 =	rddreg [dreg:$0x0];
	s2 =	stileid.u32  }
0xd0: {  	s1 =	rddreg [dreg:$0x1];
	p0 =	sne.s32 s2, $0x0  }
0xd1: {  	s3 =	rddreg [dreg:$0x2];
	[bflag:$0x3] =	sbarrier.arrive $0xFFFF;
	s2 =	simm.s32 @!p0 $0x1C02  }
0xd2: {  	[timem:s3], [sflag:s2] =	dma.local @!p0 [hbm:s0], s1  }
0xd3: {  	s0 =	simm.s32 @!p0 $0x2  }
0xd4: {  	_ =	swait.ge @!p0 [sflag:s0], s1  }
0xd5: {  	s1 =	ssub.s32 @!p0 $0x0, s1;
	[sflag:s0] =	ssyncset.done @!p0 $0x0  }
0xd6: {  	[sflag:s0] =	ssyncadd.s32 @!p0 s1  }
0xd7: {  	[bflag:$0x3] =	sbarrier.arrive $0xFFFF  }
0xd8: {  	_ =	shalt  }

</sc_bundles>
